<compile_context>
chip_gen: v7x
topology: tpu7x:2x2x1
jax: 0.10.2.dev20260603
libtpu: 0.0.44.dev20260713+nightly
codegen_flags: <defaults>
</compile_context>

<pallas_src>
import jax
import jax.numpy as jnp
from jax import lax
from jax.experimental import pallas as pl
from jax.experimental.pallas import tpu as pltpu
from jax.experimental.pallas import tpu_sc as plsc

BATCH = 16384
LATENT_DIM = 128
NUM_CLASS = 1000

_NC = 2
_NS = 16
_NW = _NC * _NS
_LANES = 16

_B_PER_W = BATCH // _NW
_CH = 128
_NCHUNK = _B_PER_W // _CH
_VPR = LATENT_DIM // _LANES

_STAGERS = 5
_ROWS_PER_STAGER = NUM_CLASS // _STAGERS


def _body(table_hbm, idx_hbm, z_hbm, out_hbm, idx_v, table_sh,
          rows0, rows1, zb0, zb1, gs0, gs1, zs0, zs1, os0, os1):
    sid = lax.axis_index("s")
    wid = sid * _NC + lax.axis_index("c")
    base = wid * _B_PER_W

    rows = (rows0, rows1)
    zb = (zb0, zb1)
    gsem = (gs0, gs1)
    zsem = (zs0, zs1)
    osem = (os0, os1)

    gd = [None, None]
    zd = [None, None]
    od = [None, None]

    with jax.named_scope("ph_idx0"):
        pltpu.sync_copy(idx_hbm.at[pl.ds(base, _CH)],
                        idx_v.at[pl.ds(0, _CH)])

    zd[0] = pltpu.async_copy(z_hbm.at[pl.ds(base, _CH)], zb[0], zsem[0])
    gd[0] = pltpu.async_copy(
        table_hbm.at[idx_v.at[pl.ds(0, _CH)]], rows[0], gsem[0])

    with jax.named_scope("ph_idx1"):
        pltpu.sync_copy(idx_hbm.at[pl.ds(base + _CH, _B_PER_W - _CH)],
                        idx_v.at[pl.ds(_CH, _B_PER_W - _CH)])

    with jax.named_scope("ph_stage"):
        @pl.when(sid < _STAGERS)
        def _stage():
            pltpu.sync_copy(
                table_hbm.at[pl.ds(sid * _ROWS_PER_STAGER, _ROWS_PER_STAGER)],
                table_sh.at[pl.ds(sid * _ROWS_PER_STAGER, _ROWS_PER_STAGER)])

    with jax.named_scope("ph_barrier"):
        plsc.subcore_barrier()

    def start(k):
        p = k % 2
        gd[p] = pltpu.async_copy(
            table_sh.at[idx_v.at[pl.ds(k * _CH, _CH)]], rows[p], gsem[p])
        zd[p] = pltpu.async_copy(
            z_hbm.at[pl.ds(base + k * _CH, _CH)], zb[p], zsem[p])

    for k in range(_NCHUNK):
        p = k % 2
        q = (k + 1) % 2
        if k + 1 < _NCHUNK:
            if od[q] is not None:
                od[q].wait()
            start(k + 1)
        with jax.named_scope(f"ph_wg{k}"):
            gd[p].wait()
        with jax.named_scope(f"ph_wz{k}"):
            zd[p].wait()

        with jax.named_scope(f"ph_mul{k}"):
            @plsc.parallel_loop(0, _CH, unroll=8)
            def _mul_row(r):
                for c in range(_VPR):
                    sl = pl.ds(c * _LANES, _LANES)
                    rows[p][r, sl] = rows[p][r, sl] * zb[p][r, sl]
        od[p] = pltpu.async_copy(
            rows[p], out_hbm.at[pl.ds(base + k * _CH, _CH)], osem[p])

    with jax.named_scope("ph_tail"):
        od[(_NCHUNK - 2) % 2].wait()
        od[(_NCHUNK - 1) % 2].wait()


@jax.jit
def _run(table, label_i32, z):
    mesh = plsc.VectorSubcoreMesh(core_axis_name="c", subcore_axis_name="s")
    buf = pltpu.VMEM((_CH, LATENT_DIM), jnp.float32)
    return pl.kernel(
        _body,
        out_type=jax.ShapeDtypeStruct((BATCH, LATENT_DIM), jnp.float32),
        mesh=mesh,
        scratch_types=[
            pltpu.VMEM((_B_PER_W,), jnp.int32),
            pltpu.VMEM_SHARED((NUM_CLASS, LATENT_DIM), jnp.float32),
            buf, buf, buf, buf,
            pltpu.SemaphoreType.DMA, pltpu.SemaphoreType.DMA,
            pltpu.SemaphoreType.DMA, pltpu.SemaphoreType.DMA,
            pltpu.SemaphoreType.DMA, pltpu.SemaphoreType.DMA,
        ],
    )(table, label_i32, z)


def kernel(z, label, emb_table):
    return _run(emb_table, label.astype(jnp.int32), z)

# --- scband reference (transcript-rebuilt; emitter-appended) ---
"""Pipeline reference for scband-embedding-labeled-latent-18794776887425 (READ-ONLY COPY).

The authoritative reference and input builder live on the scoring server;
editing this copy changes nothing except your own understanding.
"""

import jax, jax.numpy as jnp
import numpy as np

BATCH = 16384
LATENT_DIM = 128
NUM_CLASS = 1000

def setup_inputs(seed: int = 0) -> dict:
    key = jax.random.key(seed)
    k1, k2, k3 = jax.random.split(key, 3)
    z = jax.random.normal(k1, (BATCH, LATENT_DIM), dtype=jnp.float32)
    label = jax.random.randint(k2, (BATCH,), 0, NUM_CLASS, dtype=jnp.int64)
    # nn.Embedding default init: N(0, 1)
    emb_table = jax.random.normal(k3, (NUM_CLASS, LATENT_DIM), dtype=jnp.float32)
    return {"z": z, "label": label, "emb_table": emb_table}

def reference(z, label, emb_table):
    # embedding lookup: [B] -> [B, latent_dim]; Flatten is a no-op on [B, D]
    le = z * jnp.take(emb_table, label, axis=0)
    return le

if __name__ == "__main__":
    import jax
    _d = setup_inputs()
    print(jax.jit(kernel)(*tuple(_d.values())))

</pallas_src>

<mosaic_0001>
#map = affine_map<(d0, d1) -> (0, 0)>
#map1 = affine_map<(d0, d1) -> (0)>
module attributes {stable_mosaic.version = 14 : i64} {
  func.func @_body(%arg0: i32, %arg1: i32, %arg2: memref<1000x128xf32, #tpu.memory_space<hbm>>, %arg3: memref<16384xi32, #tpu.memory_space<hbm>>, %arg4: memref<16384x128xf32, #tpu.memory_space<hbm>>, %arg5: memref<16384x128xf32, #tpu.memory_space<hbm>>, %arg6: memref<512xi32, #tpu.memory_space<vmem>>, %arg7: memref<1000x128xf32, #tpu.memory_space<vmem_shared>>, %arg8: memref<128x128xf32, #tpu.memory_space<vmem>>, %arg9: memref<128x128xf32, #tpu.memory_space<vmem>>, %arg10: memref<128x128xf32, #tpu.memory_space<vmem>>, %arg11: memref<128x128xf32, #tpu.memory_space<vmem>>, %arg12: memref<!tpu.dma_semaphore, #tpu.memory_space<semaphore_mem>>, %arg13: memref<!tpu.dma_semaphore, #tpu.memory_space<semaphore_mem>>, %arg14: memref<!tpu.dma_semaphore, #tpu.memory_space<semaphore_mem>>, %arg15: memref<!tpu.dma_semaphore, #tpu.memory_space<semaphore_mem>>, %arg16: memref<!tpu.dma_semaphore, #tpu.memory_space<semaphore_mem>>, %arg17: memref<!tpu.dma_semaphore, #tpu.memory_space<semaphore_mem>>) attributes {dimension_semantics = [#tpu.dimension_semantics<core_parallel>, #tpu.dimension_semantics<subcore_parallel>], iteration_bounds = array<i64: 2, 16>, scalar_prefetch = 0 : i64, scratch_operands = 12 : i64, tpu.core_type = #tpu.core_type<sc_vector_subcore>, window_params = [{transform_indices = #map}, {transform_indices = #map1}, {transform_indices = #map}, {transform_indices = #map}]} {
    %mul3A = arith.constant 2 : i32
    %mul3A_0 = arith.muli %arg1, %mul3A : i32
    %add3A = arith.addi %mul3A_0, %arg0 : i32
    %mul3A_1 = arith.constant 512 : i32
    %mul3A_2 = arith.muli %add3A, %mul3A_1 : i32
    "tpu.trace_start"() <{level = 10 : i32, message = "ph_idx0"}> : () -> ()
    "tpu.region"() ({
      %run_scoped3A = tpu.sem_alloc : memref<!tpu.dma_semaphore, #tpu.memory_space<semaphore_mem>>
      %dma_start3A_134 = arith.constant 0 : i32
      %dma_start3A_135 = tpu.memref_slice %arg6[%dma_start3A_134] : memref<512xi32, #tpu.memory_space<vmem>> -> memref<128xi32, #tpu.memory_space<vmem>>
      %dma_start3A_136 = tpu.memref_slice %arg3[%mul3A_2] : memref<16384xi32, #tpu.memory_space<hbm>> -> memref<128xi32, #tpu.memory_space<hbm>>
      %dma_start3A_137 = arith.constant 0 : i32
      %dma_start3A_138 = tpu.memref_slice %arg6[%dma_start3A_137] : memref<512xi32, #tpu.memory_space<vmem>> -> memref<128xi32, #tpu.memory_space<vmem>>
      %dma_start3A_139 = tpu.memref_slice %arg3[%mul3A_2] : memref<16384xi32, #tpu.memory_space<hbm>> -> memref<128xi32, #tpu.memory_space<hbm>>
      tpu.enqueue_dma source(%dma_start3A_139 : memref<128xi32, #tpu.memory_space<hbm>>) target(%dma_start3A_138 : memref<128xi32, #tpu.memory_space<vmem>>) target_semaphore(%run_scoped3A : memref<!tpu.dma_semaphore, #tpu.memory_space<semaphore_mem>>)
      %dma_wait3A_140 = arith.constant 0 : i32
      %dma_wait3A_141 = tpu.memref_slice %arg6[%dma_wait3A_140] : memref<512xi32, #tpu.memory_space<vmem>> -> memref<128xi32, #tpu.memory_space<vmem>>
      %dma_wait3A_142 = tpu.memref_slice %arg3[%mul3A_2] : memref<16384xi32, #tpu.memory_space<hbm>> -> memref<128xi32, #tpu.memory_space<hbm>>
      %dma_wait3A_143 = arith.constant 0 : i32
      %dma_wait3A_144 = tpu.memref_slice %arg6[%dma_wait3A_143] : memref<512xi32, #tpu.memory_space<vmem>> -> memref<128xi32, #tpu.memory_space<vmem>>
      %dma_wait3A_145 = tpu.memref_slice %arg3[%mul3A_2] : memref<16384xi32, #tpu.memory_space<hbm>> -> memref<128xi32, #tpu.memory_space<hbm>>
      tpu.wait_dma2 semaphore(%run_scoped3A : memref<!tpu.dma_semaphore, #tpu.memory_space<semaphore_mem>>) src(%dma_wait3A_145 : memref<128xi32, #tpu.memory_space<hbm>>) dst(%dma_wait3A_144 : memref<128xi32, #tpu.memory_space<vmem>>)
      tpu.yield
    }) : () -> ()
    "tpu.trace_stop"() : () -> ()
    %dma_start3A = arith.constant 0 : i32
    %dma_start3A_3 = tpu.memref_slice %arg4[%mul3A_2, %dma_start3A] : memref<16384x128xf32, #tpu.memory_space<hbm>> -> memref<128x128xf32, #tpu.memory_space<hbm>>
    %dma_start3A_4 = arith.constant 0 : i32
    %dma_start3A_5 = tpu.memref_slice %arg4[%mul3A_2, %dma_start3A_4] : memref<16384x128xf32, #tpu.memory_space<hbm>> -> memref<128x128xf32, #tpu.memory_space<hbm>>
    tpu.enqueue_dma source(%dma_start3A_5 : memref<128x128xf32, #tpu.memory_space<hbm>>) target(%arg10 : memref<128x128xf32, #tpu.memory_space<vmem>>) target_semaphore(%arg14 : memref<!tpu.dma_semaphore, #tpu.memory_space<semaphore_mem>>)
    %dma_start3A_6 = arith.constant 0 : i32
    %dma_start3A_7 = tpu.memref_slice %arg6[%dma_start3A_6] : memref<512xi32, #tpu.memory_space<vmem>> -> memref<128xi32, #tpu.memory_space<vmem>>
    %dma_start3A_8 = arith.constant 0 : i32
    %dma_start3A_9 = arith.constant 0 : i32
    %dma_start3A_10 = tpu.memref_slice %arg2[%dma_start3A_8, %dma_start3A_9] : memref<1000x128xf32, #tpu.memory_space<hbm>> -> memref<1000x128xf32, #tpu.memory_space<hbm>>
    tpu.enqueue_indirect_dma source(%dma_start3A_10 : memref<1000x128xf32, #tpu.memory_space<hbm>>) target(%arg8 : memref<128x128xf32, #tpu.memory_space<vmem>>) offsets(%dma_start3A_7 : memref<128xi32, #tpu.memory_space<vmem>>) semaphore(%arg12 : memref<!tpu.dma_semaphore, #tpu.memory_space<semaphore_mem>>)
    "tpu.trace_start"() <{level = 10 : i32, message = "ph_idx1"}> : () -> ()
    %add3A_11 = arith.constant 128 : i32
    %add3A_12 = arith.addi %mul3A_2, %add3A_11 : i32
    "tpu.region"() ({
      %run_scoped3A = tpu.sem_alloc : memref<!tpu.dma_semaphore, #tpu.memory_space<semaphore_mem>>
      %dma_start3A_134 = arith.constant 128 : i32
      %dma_start3A_135 = tpu.memref_slice %arg6[%dma_start3A_134] : memref<512xi32, #tpu.memory_space<vmem>> -> memref<384xi32, #tpu.memory_space<vmem>>
      %dma_start3A_136 = tpu.memref_slice %arg3[%add3A_12] : memref<16384xi32, #tpu.memory_space<hbm>> -> memref<384xi32, #tpu.memory_space<hbm>>
      %dma_start3A_137 = arith.constant 128 : i32
      %dma_start3A_138 = tpu.memref_slice %arg6[%dma_start3A_137] : memref<512xi32, #tpu.memory_space<vmem>> -> memref<384xi32, #tpu.memory_space<vmem>>
      %dma_start3A_139 = tpu.memref_slice %arg3[%add3A_12] : memref<16384xi32, #tpu.memory_space<hbm>> -> memref<384xi32, #tpu.memory_space<hbm>>
      tpu.enqueue_dma source(%dma_start3A_139 : memref<384xi32, #tpu.memory_space<hbm>>) target(%dma_start3A_138 : memref<384xi32, #tpu.memory_space<vmem>>) target_semaphore(%run_scoped3A : memref<!tpu.dma_semaphore, #tpu.memory_space<semaphore_mem>>)
      %dma_wait3A_140 = arith.constant 128 : i32
      %dma_wait3A_141 = tpu.memref_slice %arg6[%dma_wait3A_140] : memref<512xi32, #tpu.memory_space<vmem>> -> memref<384xi32, #tpu.memory_space<vmem>>
      %dma_wait3A_142 = tpu.memref_slice %arg3[%add3A_12] : memref<16384xi32, #tpu.memory_space<hbm>> -> memref<384xi32, #tpu.memory_space<hbm>>
      %dma_wait3A_143 = arith.constant 128 : i32
      %dma_wait3A_144 = tpu.memref_slice %arg6[%dma_wait3A_143] : memref<512xi32, #tpu.memory_space<vmem>> -> memref<384xi32, #tpu.memory_space<vmem>>
      %dma_wait3A_145 = tpu.memref_slice %arg3[%add3A_12] : memref<16384xi32, #tpu.memory_space<hbm>> -> memref<384xi32, #tpu.memory_space<hbm>>
      tpu.wait_dma2 semaphore(%run_scoped3A : memref<!tpu.dma_semaphore, #tpu.memory_space<semaphore_mem>>) src(%dma_wait3A_145 : memref<384xi32, #tpu.memory_space<hbm>>) dst(%dma_wait3A_144 : memref<384xi32, #tpu.memory_space<vmem>>)
      tpu.yield
    }) : () -> ()
    %lt3A = arith.constant 5 : i32
    "tpu.trace_stop"() : () -> ()
    "tpu.trace_start"() <{level = 10 : i32, message = "ph_stage"}> : () -> ()
    %lt3A_13 = arith.cmpi slt, %arg1, %lt3A : i32
    %convert_element_type3A = arith.extui %lt3A_13 : i1 to i32
    %cond3A = arith.constant 0 : i32
    %cond3A_14 = arith.cmpi ne, %convert_element_type3A, %cond3A : i32
    scf.if %cond3A_14 {
      %mul3A_134 = arith.constant 200 : i32
      %mul3A_135 = arith.muli %arg1, %mul3A_134 : i32
      %mul3A_136 = arith.constant 200 : i32
      %mul3A_137 = arith.muli %arg1, %mul3A_136 : i32
      "tpu.region"() ({
        %run_scoped3A = tpu.sem_alloc : memref<!tpu.dma_semaphore, #tpu.memory_space<semaphore_mem>>
        %dma_start3A_138 = arith.constant 0 : i32
        %dma_start3A_139 = tpu.memref_slice %arg7[%mul3A_137, %dma_start3A_138] : memref<1000x128xf32, #tpu.memory_space<vmem_shared>> -> memref<200x128xf32, #tpu.memory_space<vmem_shared>>
        %dma_start3A_140 = arith.constant 0 : i32
        %dma_start3A_141 = tpu.memref_slice %arg2[%mul3A_135, %dma_start3A_140] : memref<1000x128xf32, #tpu.memory_space<hbm>> -> memref<200x128xf32, #tpu.memory_space<hbm>>
        tpu.enqueue_dma source(%dma_start3A_141 : memref<200x128xf32, #tpu.memory_space<hbm>>) target(%dma_start3A_139 : memref<200x128xf32, #tpu.memory_space<vmem_shared>>) target_semaphore(%run_scoped3A : memref<!tpu.dma_semaphore, #tpu.memory_space<semaphore_mem>>)
        %dma_wait3A_142 = arith.constant 0 : i32
        %dma_wait3A_143 = tpu.memref_slice %arg7[%mul3A_137, %dma_wait3A_142] : memref<1000x128xf32, #tpu.memory_space<vmem_shared>> -> memref<200x128xf32, #tpu.memory_space<vmem_shared>>
        %dma_wait3A_144 = arith.constant 0 : i32
        %dma_wait3A_145 = tpu.memref_slice %arg2[%mul3A_135, %dma_wait3A_144] : memref<1000x128xf32, #tpu.memory_space<hbm>> -> memref<200x128xf32, #tpu.memory_space<hbm>>
        tpu.wait_dma2 semaphore(%run_scoped3A : memref<!tpu.dma_semaphore, #tpu.memory_space<semaphore_mem>>) src(%dma_wait3A_145 : memref<200x128xf32, #tpu.memory_space<hbm>>) dst(%dma_wait3A_143 : memref<200x128xf32, #tpu.memory_space<vmem_shared>>)
        tpu.yield
      }) : () -> ()
    } else {
    }
    "tpu.trace_stop"() : () -> ()
    "tpu.trace_start"() <{level = 10 : i32, message = "ph_barrier"}> : () -> ()
    %barrier3A = arith.constant 0 : index
    tpu.barrier barrier_id(%barrier3A)
    "tpu.trace_stop"() : () -> ()
    %dma_start3A_15 = arith.constant 128 : i32
    %dma_start3A_16 = tpu.memref_slice %arg6[%dma_start3A_15] : memref<512xi32, #tpu.memory_space<vmem>> -> memref<128xi32, #tpu.memory_space<vmem>>
    %dma_start3A_17 = arith.constant 0 : i32
    %dma_start3A_18 = arith.constant 0 : i32
    %dma_start3A_19 = tpu.memref_slice %arg7[%dma_start3A_17, %dma_start3A_18] : memref<1000x128xf32, #tpu.memory_space<vmem_shared>> -> memref<1000x128xf32, #tpu.memory_space<vmem_shared>>
    tpu.enqueue_indirect_dma source(%dma_start3A_19 : memref<1000x128xf32, #tpu.memory_space<vmem_shared>>) target(%arg9 : memref<128x128xf32, #tpu.memory_space<vmem>>) offsets(%dma_start3A_16 : memref<128xi32, #tpu.memory_space<vmem>>) semaphore(%arg13 : memref<!tpu.dma_semaphore, #tpu.memory_space<semaphore_mem>>)
    %add3A_20 = arith.constant 128 : i32
    %add3A_21 = arith.addi %mul3A_2, %add3A_20 : i32
    %dma_start3A_22 = arith.constant 0 : i32
    %dma_start3A_23 = tpu.memref_slice %arg4[%add3A_21, %dma_start3A_22] : memref<16384x128xf32, #tpu.memory_space<hbm>> -> memref<128x128xf32, #tpu.memory_space<hbm>>
    %dma_start3A_24 = arith.constant 0 : i32
    %dma_start3A_25 = tpu.memref_slice %arg4[%add3A_21, %dma_start3A_24] : memref<16384x128xf32, #tpu.memory_space<hbm>> -> memref<128x128xf32, #tpu.memory_space<hbm>>
    tpu.enqueue_dma source(%dma_start3A_25 : memref<128x128xf32, #tpu.memory_space<hbm>>) target(%arg11 : memref<128x128xf32, #tpu.memory_space<vmem>>) target_semaphore(%arg15 : memref<!tpu.dma_semaphore, #tpu.memory_space<semaphore_mem>>)
    "tpu.trace_start"() <{level = 10 : i32, message = "ph_wg0"}> : () -> ()
    %dma_wait3A = arith.constant 0 : i32
    %dma_wait3A_26 = tpu.memref_slice %arg6[%dma_wait3A] : memref<512xi32, #tpu.memory_space<vmem>> -> memref<128xi32, #tpu.memory_space<vmem>>
    %dma_wait3A_27 = arith.constant 0 : i32
    %dma_wait3A_28 = arith.constant 0 : i32
    %dma_wait3A_29 = tpu.memref_slice %arg2[%dma_wait3A_27, %dma_wait3A_28] : memref<1000x128xf32, #tpu.memory_space<hbm>> -> memref<1000x128xf32, #tpu.memory_space<hbm>>
    tpu.wait_indirect_dma semaphore(%arg12 : memref<!tpu.dma_semaphore, #tpu.memory_space<semaphore_mem>>) src(%dma_wait3A_29 : memref<1000x128xf32, #tpu.memory_space<hbm>>) dst(%arg8 : memref<128x128xf32, #tpu.memory_space<vmem>>)
    "tpu.trace_stop"() : () -> ()
    "tpu.trace_start"() <{level = 10 : i32, message = "ph_wz0"}> : () -> ()
    %dma_wait3A_30 = arith.constant 0 : i32
    %dma_wait3A_31 = tpu.memref_slice %arg4[%mul3A_2, %dma_wait3A_30] : memref<16384x128xf32, #tpu.memory_space<hbm>> -> memref<128x128xf32, #tpu.memory_space<hbm>>
    %dma_wait3A_32 = arith.constant 0 : i32
    %dma_wait3A_33 = tpu.memref_slice %arg4[%mul3A_2, %dma_wait3A_32] : memref<16384x128xf32, #tpu.memory_space<hbm>> -> memref<128x128xf32, #tpu.memory_space<hbm>>
    tpu.wait_dma2 semaphore(%arg14 : memref<!tpu.dma_semaphore, #tpu.memory_space<semaphore_mem>>) src(%dma_wait3A_33 : memref<128x128xf32, #tpu.memory_space<hbm>>) dst(%arg10 : memref<128x128xf32, #tpu.memory_space<vmem>>)
    %parallel_loop3A = arith.constant 0 : i32
    %parallel_loop3A_34 = arith.constant 128 : i32
    %parallel_loop3A_35 = arith.constant 1 : i32
    "tpu.trace_stop"() : () -> ()
    "tpu.trace_start"() <{level = 10 : i32, message = "ph_mul0"}> : () -> ()
    scf.for %parallel_loop3A_134 = %parallel_loop3A to %parallel_loop3A_34 step %parallel_loop3A_35  : i32 {
      %parallel_loop3A_135 = arith.index_cast %parallel_loop3A_134 : i32 to index
      %parallel_loop3A_136 = arith.constant 0 : index
      %parallel_loop3A_137 = tpu.vector_load %arg8[%parallel_loop3A_135, %parallel_loop3A_136] {strides = array<i32>} : memref<128x128xf32, #tpu.memory_space<vmem>>, vector<1x16xf32>,
      %parallel_loop3A_138 = vector.shape_cast %parallel_loop3A_137 : vector<1x16xf32> to vector<16xf32>
      %parallel_loop3A_139 = arith.index_cast %parallel_loop3A_134 : i32 to index
      %parallel_loop3A_140 = arith.constant 0 : index
      %parallel_loop3A_141 = tpu.vector_load %arg10[%parallel_loop3A_139, %parallel_loop3A_140] {strides = array<i32>} : memref<128x128xf32, #tpu.memory_space<vmem>>, vector<1x16xf32>,
      %parallel_loop3A_142 = vector.shape_cast %parallel_loop3A_141 : vector<1x16xf32> to vector<16xf32>
      %parallel_loop3A_143 = arith.mulf %parallel_loop3A_138, %parallel_loop3A_142 : vector<16xf32>
      %parallel_loop3A_144 = arith.index_cast %parallel_loop3A_134 : i32 to index
      %parallel_loop3A_145 = arith.constant 0 : index
      %parallel_loop3A_146 = tpu.vector_load %arg8[%parallel_loop3A_144, %parallel_loop3A_145] {strides = array<i32>} : memref<128x128xf32, #tpu.memory_space<vmem>>, vector<1x16xf32>,
      %parallel_loop3A_147 = vector.shape_cast %parallel_loop3A_146 : vector<1x16xf32> to vector<16xf32>
      %parallel_loop3A_148 = vector.shape_cast %parallel_loop3A_143 : vector<16xf32> to vector<1x16xf32>
      tpu.vector_store %arg8[%parallel_loop3A_144, %parallel_loop3A_145], %parallel_loop3A_148 {strides = array<i32>} : memref<128x128xf32, #tpu.memory_space<vmem>>, vector<1x16xf32>,
      %parallel_loop3A_149 = arith.index_cast %parallel_loop3A_134 : i32 to index
      %parallel_loop3A_150 = arith.constant 16 : index
      %parallel_loop3A_151 = tpu.vector_load %arg8[%parallel_loop3A_149, %parallel_loop3A_150] {strides = array<i32>} : memref<128x128xf32, #tpu.memory_space<vmem>>, vector<1x16xf32>,
      %parallel_loop3A_152 = vector.shape_cast %parallel_loop3A_151 : vector<1x16xf32> to vector<16xf32>
      %parallel_loop3A_153 = arith.index_cast %parallel_loop3A_134 : i32 to index
      %parallel_loop3A_154 = arith.constant 16 : index
      %parallel_loop3A_155 = tpu.vector_load %arg10[%parallel_loop3A_153, %parallel_loop3A_154] {strides = array<i32>} : memref<128x128xf32, #tpu.memory_space<vmem>>, vector<1x16xf32>,
      %parallel_loop3A_156 = vector.shape_cast %parallel_loop3A_155 : vector<1x16xf32> to vector<16xf32>
      %parallel_loop3A_157 = arith.mulf %parallel_loop3A_152, %parallel_loop3A_156 : vector<16xf32>
      %parallel_loop3A_158 = arith.index_cast %parallel_loop3A_134 : i32 to index
      %parallel_loop3A_159 = arith.constant 16 : index
      %parallel_loop3A_160 = tpu.vector_load %arg8[%parallel_loop3A_158, %parallel_loop3A_159] {strides = array<i32>} : memref<128x128xf32, #tpu.memory_space<vmem>>, vector<1x16xf32>,
      %parallel_loop3A_161 = vector.shape_cast %parallel_loop3A_160 : vector<1x16xf32> to vector<16xf32>
      %parallel_loop3A_162 = vector.shape_cast %parallel_loop3A_157 : vector<16xf32> to vector<1x16xf32>
      tpu.vector_store %arg8[%parallel_loop3A_158, %parallel_loop3A_159], %parallel_loop3A_162 {strides = array<i32>} : memref<128x128xf32, #tpu.memory_space<vmem>>, vector<1x16xf32>,
      %parallel_loop3A_163 = arith.index_cast %parallel_loop3A_134 : i32 to index
      %parallel_loop3A_164 = arith.constant 32 : index
      %parallel_loop3A_165 = tpu.vector_load %arg8[%parallel_loop3A_163, %parallel_loop3A_164] {strides = array<i32>} : memref<128x128xf32, #tpu.memory_space<vmem>>, vector<1x16xf32>,
      %parallel_loop3A_166 = vector.shape_cast %parallel_loop3A_165 : vector<1x16xf32> to vector<16xf32>
      %parallel_loop3A_167 = arith.index_cast %parallel_loop3A_134 : i32 to index
      %parallel_loop3A_168 = arith.constant 32 : index
      %parallel_loop3A_169 = tpu.vector_load %arg10[%parallel_loop3A_167, %parallel_loop3A_168] {strides = array<i32>} : memref<128x128xf32, #tpu.memory_space<vmem>>, vector<1x16xf32>,
      %parallel_loop3A_170 = vector.shape_cast %parallel_loop3A_169 : vector<1x16xf32> to vector<16xf32>
      %parallel_loop3A_171 = arith.mulf %parallel_loop3A_166, %parallel_loop3A_170 : vector<16xf32>
      %parallel_loop3A_172 = arith.index_cast %parallel_loop3A_134 : i32 to index
      %parallel_loop3A_173 = arith.constant 32 : index
      %parallel_loop3A_174 = tpu.vector_load %arg8[%parallel_loop3A_172, %parallel_loop3A_173] {strides = array<i32>} : memref<128x128xf32, #tpu.memory_space<vmem>>, vector<1x16xf32>,
      %parallel_loop3A_175 = vector.shape_cast %parallel_loop3A_174 : vector<1x16xf32> to vector<16xf32>
      %parallel_loop3A_176 = vector.shape_cast %parallel_loop3A_171 : vector<16xf32> to vector<1x16xf32>
      tpu.vector_store %arg8[%parallel_loop3A_172, %parallel_loop3A_173], %parallel_loop3A_176 {strides = array<i32>} : memref<128x128xf32, #tpu.memory_space<vmem>>, vector<1x16xf32>,
      %parallel_loop3A_177 = arith.index_cast %parallel_loop3A_134 : i32 to index
      %parallel_loop3A_178 = arith.constant 48 : index
      %parallel_loop3A_179 = tpu.vector_load %arg8[%parallel_loop3A_177, %parallel_loop3A_178] {strides = array<i32>} : memref<128x128xf32, #tpu.memory_space<vmem>>, vector<1x16xf32>,
      %parallel_loop3A_180 = vector.shape_cast %parallel_loop3A_179 : vector<1x16xf32> to vector<16xf32>
      %parallel_loop3A_181 = arith.index_cast %parallel_loop3A_134 : i32 to index
      %parallel_loop3A_182 = arith.constant 48 : index
      %parallel_loop3A_183 = tpu.vector_load %arg10[%parallel_loop3A_181, %parallel_loop3A_182] {strides = array<i32>} : memref<128x128xf32, #tpu.memory_space<vmem>>, vector<1x16xf32>,
      %parallel_loop3A_184 = vector.shape_cast %parallel_loop3A_183 : vector<1x16xf32> to vector<16xf32>
      %parallel_loop3A_185 = arith.mulf %parallel_loop3A_180, %parallel_loop3A_184 : vector<16xf32>
      %parallel_loop3A_186 = arith.index_cast %parallel_loop3A_134 : i32 to index
      %parallel_loop3A_187 = arith.constant 48 : index
      %parallel_loop3A_188 = tpu.vector_load %arg8[%parallel_loop3A_186, %parallel_loop3A_187] {strides = array<i32>} : memref<128x128xf32, #tpu.memory_space<vmem>>, vector<1x16xf32>,
      %parallel_loop3A_189 = vector.shape_cast %parallel_loop3A_188 : vector<1x16xf32> to vector<16xf32>
      %parallel_loop3A_190 = vector.shape_cast %parallel_loop3A_185 : vector<16xf32> to vector<1x16xf32>
      tpu.vector_store %arg8[%parallel_loop3A_186, %parallel_loop3A_187], %parallel_loop3A_190 {strides = array<i32>} : memref<128x128xf32, #tpu.memory_space<vmem>>, vector<1x16xf32>,
      %parallel_loop3A_191 = arith.index_cast %parallel_loop3A_134 : i32 to index
      %parallel_loop3A_192 = arith.constant 64 : index
      %parallel_loop3A_193 = tpu.vector_load %arg8[%parallel_loop3A_191, %parallel_loop3A_192] {strides = array<i32>} : memref<128x128xf32, #tpu.memory_space<vmem>>, vector<1x16xf32>,
      %parallel_loop3A_194 = vector.shape_cast %parallel_loop3A_193 : vector<1x16xf32> to vector<16xf32>
      %parallel_loop3A_195 = arith.index_cast %parallel_loop3A_134 : i32 to index
      %parallel_loop3A_196 = arith.constant 64 : index
      %parallel_loop3A_197 = tpu.vector_load %arg10[%parallel_loop3A_195, %parallel_loop3A_196] {strides = array<i32>} : memref<128x128xf32, #tpu.memory_space<vmem>>, vector<1x16xf32>,
      %parallel_loop3A_198 = vector.shape_cast %parallel_loop3A_197 : vector<1x16xf32> to vector<16xf32>
      %parallel_loop3A_199 = arith.mulf %parallel_loop3A_194, %parallel_loop3A_198 : vector<16xf32>
      %parallel_loop3A_200 = arith.index_cast %parallel_loop3A_134 : i32 to index
      %parallel_loop3A_201 = arith.constant 64 : index
      %parallel_loop3A_202 = tpu.vector_load %arg8[%parallel_loop3A_200, %parallel_loop3A_201] {strides = array<i32>} : memref<128x128xf32, #tpu.memory_space<vmem>>, vector<1x16xf32>,
      %parallel_loop3A_203 = vector.shape_cast %parallel_loop3A_202 : vector<1x16xf32> to vector<16xf32>
      %parallel_loop3A_204 = vector.shape_cast %parallel_loop3A_199 : vector<16xf32> to vector<1x16xf32>
      tpu.vector_store %arg8[%parallel_loop3A_200, %parallel_loop3A_201], %parallel_loop3A_204 {strides = array<i32>} : memref<128x128xf32, #tpu.memory_space<vmem>>, vector<1x16xf32>,
      %parallel_loop3A_205 = arith.index_cast %parallel_loop3A_134 : i32 to index
      %parallel_loop3A_206 = arith.constant 80 : index
      %parallel_loop3A_207 = tpu.vector_load %arg8[%parallel_loop3A_205, %parallel_loop3A_206] {strides = array<i32>} : memref<128x128xf32, #tpu.memory_space<vmem>>, vector<1x16xf32>,
      %parallel_loop3A_208 = vector.shape_cast %parallel_loop3A_207 : vector<1x16xf32> to vector<16xf32>
      %parallel_loop3A_209 = arith.index_cast %parallel_loop3A_134 : i32 to index
      %parallel_loop3A_210 = arith.constant 80 : index
      %parallel_loop3A_211 = tpu.vector_load %arg10[%parallel_loop3A_209, %parallel_loop3A_210] {strides = array<i32>} : memref<128x128xf32, #tpu.memory_space<vmem>>, vector<1x16xf32>,
      %parallel_loop3A_212 = vector.shape_cast %parallel_loop3A_211 : vector<1x16xf32> to vector<16xf32>
      %parallel_loop3A_213 = arith.mulf %parallel_loop3A_208, %parallel_loop3A_212 : vector<16xf32>
      %parallel_loop3A_214 = arith.index_cast %parallel_loop3A_134 : i32 to index
      %parallel_loop3A_215 = arith.constant 80 : index
      %parallel_loop3A_216 = tpu.vector_load %arg8[%parallel_loop3A_214, %parallel_loop3A_215] {strides = array<i32>} : memref<128x128xf32, #tpu.memory_space<vmem>>, vector<1x16xf32>,
      %parallel_loop3A_217 = vector.shape_cast %parallel_loop3A_216 : vector<1x16xf32> to vector<16xf32>
      %parallel_loop3A_218 = vector.shape_cast %parallel_loop3A_213 : vector<16xf32> to vector<1x16xf32>
      tpu.vector_store %arg8[%parallel_loop3A_214, %parallel_loop3A_215], %parallel_loop3A_218 {strides = array<i32>} : memref<128x128xf32, #tpu.memory_space<vmem>>, vector<1x16xf32>,
      %parallel_loop3A_219 = arith.index_cast %parallel_loop3A_134 : i32 to index
      %parallel_loop3A_220 = arith.constant 96 : index
      %parallel_loop3A_221 = tpu.vector_load %arg8[%parallel_loop3A_219, %parallel_loop3A_220] {strides = array<i32>} : memref<128x128xf32, #tpu.memory_space<vmem>>, vector<1x16xf32>,
      %parallel_loop3A_222 = vector.shape_cast %parallel_loop3A_221 : vector<1x16xf32> to vector<16xf32>
      %parallel_loop3A_223 = arith.index_cast %parallel_loop3A_134 : i32 to index
      %parallel_loop3A_224 = arith.constant 96 : index
      %parallel_loop3A_225 = tpu.vector_load %arg10[%parallel_loop3A_223, %parallel_loop3A_224] {strides = array<i32>} : memref<128x128xf32, #tpu.memory_space<vmem>>, vector<1x16xf32>,
      %parallel_loop3A_226 = vector.shape_cast %parallel_loop3A_225 : vector<1x16xf32> to vector<16xf32>
      %parallel_loop3A_227 = arith.mulf %parallel_loop3A_222, %parallel_loop3A_226 : vector<16xf32>
      %parallel_loop3A_228 = arith.index_cast %parallel_loop3A_134 : i32 to index
      %parallel_loop3A_229 = arith.constant 96 : index
      %parallel_loop3A_230 = tpu.vector_load %arg8[%parallel_loop3A_228, %parallel_loop3A_229] {strides = array<i32>} : memref<128x128xf32, #tpu.memory_space<vmem>>, vector<1x16xf32>,
      %parallel_loop3A_231 = vector.shape_cast %parallel_loop3A_230 : vector<1x16xf32> to vector<16xf32>
      %parallel_loop3A_232 = vector.shape_cast %parallel_loop3A_227 : vector<16xf32> to vector<1x16xf32>
      tpu.vector_store %arg8[%parallel_loop3A_228, %parallel_loop3A_229], %parallel_loop3A_232 {strides = array<i32>} : memref<128x128xf32, #tpu.memory_space<vmem>>, vector<1x16xf32>,
      %parallel_loop3A_233 = arith.index_cast %parallel_loop3A_134 : i32 to index
      %parallel_loop3A_234 = arith.constant 112 : index
      %parallel_loop3A_235 = tpu.vector_load %arg8[%parallel_loop3A_233, %parallel_loop3A_234] {strides = array<i32>} : memref<128x128xf32, #tpu.memory_space<vmem>>, vector<1x16xf32>,
      %parallel_loop3A_236 = vector.shape_cast %parallel_loop3A_235 : vector<1x16xf32> to vector<16xf32>
      %parallel_loop3A_237 = arith.index_cast %parallel_loop3A_134 : i32 to index
      %parallel_loop3A_238 = arith.constant 112 : index
      %parallel_loop3A_239 = tpu.vector_load %arg10[%parallel_loop3A_237, %parallel_loop3A_238] {strides = array<i32>} : memref<128x128xf32, #tpu.memory_space<vmem>>, vector<1x16xf32>,
      %parallel_loop3A_240 = vector.shape_cast %parallel_loop3A_239 : vector<1x16xf32> to vector<16xf32>
      %parallel_loop3A_241 = arith.mulf %parallel_loop3A_236, %parallel_loop3A_240 : vector<16xf32>
      %parallel_loop3A_242 = arith.index_cast %parallel_loop3A_134 : i32 to index
      %parallel_loop3A_243 = arith.constant 112 : index
      %parallel_loop3A_244 = tpu.vector_load %arg8[%parallel_loop3A_242, %parallel_loop3A_243] {strides = array<i32>} : memref<128x128xf32, #tpu.memory_space<vmem>>, vector<1x16xf32>,
      %parallel_loop3A_245 = vector.shape_cast %parallel_loop3A_244 : vector<1x16xf32> to vector<16xf32>
      %parallel_loop3A_246 = vector.shape_cast %parallel_loop3A_241 : vector<16xf32> to vector<1x16xf32>
      tpu.vector_store %arg8[%parallel_loop3A_242, %parallel_loop3A_243], %parallel_loop3A_246 {strides = array<i32>} : memref<128x128xf32, #tpu.memory_space<vmem>>, vector<1x16xf32>,
    } {sc.loop_unroll_factor = 8 : i64, sc.parallel_access}
    "tpu.trace_stop"() : () -> ()
    %add3A_36 = arith.constant 0 : i32
    %add3A_37 = arith.addi %mul3A_2, %add3A_36 : i32
    %dma_start3A_38 = arith.constant 0 : i32
    %dma_start3A_39 = tpu.memref_slice %arg5[%add3A_37, %dma_start3A_38] : memref<16384x128xf32, #tpu.memory_space<hbm>> -> memref<128x128xf32, #tpu.memory_space<hbm>>
    %dma_start3A_40 = arith.constant 0 : i32
    %dma_start3A_41 = tpu.memref_slice %arg5[%add3A_37, %dma_start3A_40] : memref<16384x128xf32, #tpu.memory_space<hbm>> -> memref<128x128xf32, #tpu.memory_space<hbm>>
    tpu.enqueue_dma source(%arg8 : memref<128x128xf32, #tpu.memory_space<vmem>>) target(%dma_start3A_41 : memref<128x128xf32, #tpu.memory_space<hbm>>) target_semaphore(%arg16 : memref<!tpu.dma_semaphore, #tpu.memory_space<semaphore_mem>>)
    %dma_wait3A_42 = arith.constant 0 : i32
    %dma_wait3A_43 = tpu.memref_slice %arg5[%add3A_37, %dma_wait3A_42] : memref<16384x128xf32, #tpu.memory_space<hbm>> -> memref<128x128xf32, #tpu.memory_space<hbm>>
    %dma_wait3A_44 = arith.constant 0 : i32
    %dma_wait3A_45 = tpu.memref_slice %arg5[%add3A_37, %dma_wait3A_44] : memref<16384x128xf32, #tpu.memory_space<hbm>> -> memref<128x128xf32, #tpu.memory_space<hbm>>
    tpu.wait_dma2 semaphore(%arg16 : memref<!tpu.dma_semaphore, #tpu.memory_space<semaphore_mem>>) src(%arg8 : memref<128x128xf32, #tpu.memory_space<vmem>>) dst(%dma_wait3A_45 : memref<128x128xf32, #tpu.memory_space<hbm>>)
    %dma_start3A_46 = arith.constant 256 : i32
    %dma_start3A_47 = tpu.memref_slice %arg6[%dma_start3A_46] : memref<512xi32, #tpu.memory_space<vmem>> -> memref<128xi32, #tpu.memory_space<vmem>>
    %dma_start3A_48 = arith.constant 0 : i32
    %dma_start3A_49 = arith.constant 0 : i32
    %dma_start3A_50 = tpu.memref_slice %arg7[%dma_start3A_48, %dma_start3A_49] : memref<1000x128xf32, #tpu.memory_space<vmem_shared>> -> memref<1000x128xf32, #tpu.memory_space<vmem_shared>>
    tpu.enqueue_indirect_dma source(%dma_start3A_50 : memref<1000x128xf32, #tpu.memory_space<vmem_shared>>) target(%arg8 : memref<128x128xf32, #tpu.memory_space<vmem>>) offsets(%dma_start3A_47 : memref<128xi32, #tpu.memory_space<vmem>>) semaphore(%arg12 : memref<!tpu.dma_semaphore, #tpu.memory_space<semaphore_mem>>)
    %add3A_51 = arith.constant 256 : i32
    %add3A_52 = arith.addi %mul3A_2, %add3A_51 : i32
    %dma_start3A_53 = arith.constant 0 : i32
    %dma_start3A_54 = tpu.memref_slice %arg4[%add3A_52, %dma_start3A_53] : memref<16384x128xf32, #tpu.memory_space<hbm>> -> memref<128x128xf32, #tpu.memory_space<hbm>>
    %dma_start3A_55 = arith.constant 0 : i32
    %dma_start3A_56 = tpu.memref_slice %arg4[%add3A_52, %dma_start3A_55] : memref<16384x128xf32, #tpu.memory_space<hbm>> -> memref<128x128xf32, #tpu.memory_space<hbm>>
    tpu.enqueue_dma source(%dma_start3A_56 : memref<128x128xf32, #tpu.memory_space<hbm>>) target(%arg10 : memref<128x128xf32, #tpu.memory_space<vmem>>) target_semaphore(%arg14 : memref<!tpu.dma_semaphore, #tpu.memory_space<semaphore_mem>>)
    "tpu.trace_start"() <{level = 10 : i32, message = "ph_wg1"}> : () -> ()
    %dma_wait3A_57 = arith.constant 128 : i32
    %dma_wait3A_58 = tpu.memref_slice %arg6[%dma_wait3A_57] : memref<512xi32, #tpu.memory_space<vmem>> -> memref<128xi32, #tpu.memory_space<vmem>>
    %dma_wait3A_59 = arith.constant 0 : i32
    %dma_wait3A_60 = arith.constant 0 : i32
    %dma_wait3A_61 = tpu.memref_slice %arg7[%dma_wait3A_59, %dma_wait3A_60] : memref<1000x128xf32, #tpu.memory_space<vmem_shared>> -> memref<1000x128xf32, #tpu.memory_space<vmem_shared>>
    tpu.wait_indirect_dma semaphore(%arg13 : memref<!tpu.dma_semaphore, #tpu.memory_space<semaphore_mem>>) src(%dma_wait3A_61 : memref<1000x128xf32, #tpu.memory_space<vmem_shared>>) dst(%arg9 : memref<128x128xf32, #tpu.memory_space<vmem>>)
    "tpu.trace_stop"() : () -> ()
    "tpu.trace_start"() <{level = 10 : i32, message = "ph_wz1"}> : () -> ()
    %dma_wait3A_62 = arith.constant 0 : i32
    %dma_wait3A_63 = tpu.memref_slice %arg4[%add3A_21, %dma_wait3A_62] : memref<16384x128xf32, #tpu.memory_space<hbm>> -> memref<128x128xf32, #tpu.memory_space<hbm>>
    %dma_wait3A_64 = arith.constant 0 : i32
    %dma_wait3A_65 = tpu.memref_slice %arg4[%add3A_21, %dma_wait3A_64] : memref<16384x128xf32, #tpu.memory_space<hbm>> -> memref<128x128xf32, #tpu.memory_space<hbm>>
    tpu.wait_dma2 semaphore(%arg15 : memref<!tpu.dma_semaphore, #tpu.memory_space<semaphore_mem>>) src(%dma_wait3A_65 : memref<128x128xf32, #tpu.memory_space<hbm>>) dst(%arg11 : memref<128x128xf32, #tpu.memory_space<vmem>>)
    %parallel_loop3A_66 = arith.constant 0 : i32
    %parallel_loop3A_67 = arith.constant 128 : i32
    %parallel_loop3A_68 = arith.constant 1 : i32
    "tpu.trace_stop"() : () -> ()
    "tpu.trace_start"() <{level = 10 : i32, message = "ph_mul1"}> : () -> ()
    scf.for %parallel_loop3A_134 = %parallel_loop3A_66 to %parallel_loop3A_67 step %parallel_loop3A_68  : i32 {
      %parallel_loop3A_135 = arith.index_cast %parallel_loop3A_134 : i32 to index
      %parallel_loop3A_136 = arith.constant 0 : index
      %parallel_loop3A_137 = tpu.vector_load %arg9[%parallel_loop3A_135, %parallel_loop3A_136] {strides = array<i32>} : memref<128x128xf32, #tpu.memory_space<vmem>>, vector<1x16xf32>,
      %parallel_loop3A_138 = vector.shape_cast %parallel_loop3A_137 : vector<1x16xf32> to vector<16xf32>
      %parallel_loop3A_139 = arith.index_cast %parallel_loop3A_134 : i32 to index
      %parallel_loop3A_140 = arith.constant 0 : index
      %parallel_loop3A_141 = tpu.vector_load %arg11[%parallel_loop3A_139, %parallel_loop3A_140] {strides = array<i32>} : memref<128x128xf32, #tpu.memory_space<vmem>>, vector<1x16xf32>,
      %parallel_loop3A_142 = vector.shape_cast %parallel_loop3A_141 : vector<1x16xf32> to vector<16xf32>
      %parallel_loop3A_143 = arith.mulf %parallel_loop3A_138, %parallel_loop3A_142 : vector<16xf32>
      %parallel_loop3A_144 = arith.index_cast %parallel_loop3A_134 : i32 to index
      %parallel_loop3A_145 = arith.constant 0 : index
      %parallel_loop3A_146 = tpu.vector_load %arg9[%parallel_loop3A_144, %parallel_loop3A_145] {strides = array<i32>} : memref<128x128xf32, #tpu.memory_space<vmem>>, vector<1x16xf32>,
      %parallel_loop3A_147 = vector.shape_cast %parallel_loop3A_146 : vector<1x16xf32> to vector<16xf32>
      %parallel_loop3A_148 = vector.shape_cast %parallel_loop3A_143 : vector<16xf32> to vector<1x16xf32>
      tpu.vector_store %arg9[%parallel_loop3A_144, %parallel_loop3A_145], %parallel_loop3A_148 {strides = array<i32>} : memref<128x128xf32, #tpu.memory_space<vmem>>, vector<1x16xf32>,
      %parallel_loop3A_149 = arith.index_cast %parallel_loop3A_134 : i32 to index
      %parallel_loop3A_150 = arith.constant 16 : index
      %parallel_loop3A_151 = tpu.vector_load %arg9[%parallel_loop3A_149, %parallel_loop3A_150] {strides = array<i32>} : memref<128x128xf32, #tpu.memory_space<vmem>>, vector<1x16xf32>,
      %parallel_loop3A_152 = vector.shape_cast %parallel_loop3A_151 : vector<1x16xf32> to vector<16xf32>
      %parallel_loop3A_153 = arith.index_cast %parallel_loop3A_134 : i32 to index
      %parallel_loop3A_154 = arith.constant 16 : index
      %parallel_loop3A_155 = tpu.vector_load %arg11[%parallel_loop3A_153, %parallel_loop3A_154] {strides = array<i32>} : memref<128x128xf32, #tpu.memory_space<vmem>>, vector<1x16xf32>,
      %parallel_loop3A_156 = vector.shape_cast %parallel_loop3A_155 : vector<1x16xf32> to vector<16xf32>
      %parallel_loop3A_157 = arith.mulf %parallel_loop3A_152, %parallel_loop3A_156 : vector<16xf32>
      %parallel_loop3A_158 = arith.index_cast %parallel_loop3A_134 : i32 to index
      %parallel_loop3A_159 = arith.constant 16 : index
      %parallel_loop3A_160 = tpu.vector_load %arg9[%parallel_loop3A_158, %parallel_loop3A_159] {strides = array<i32>} : memref<128x128xf32, #tpu.memory_space<vmem>>, vector<1x16xf32>,
      %parallel_loop3A_161 = vector.shape_cast %parallel_loop3A_160 : vector<1x16xf32> to vector<16xf32>
      %parallel_loop3A_162 = vector.shape_cast %parallel_loop3A_157 : vector<16xf32> to vector<1x16xf32>
      tpu.vector_store %arg9[%parallel_loop3A_158, %parallel_loop3A_159], %parallel_loop3A_162 {strides = array<i32>} : memref<128x128xf32, #tpu.memory_space<vmem>>, vector<1x16xf32>,
      %parallel_loop3A_163 = arith.index_cast %parallel_loop3A_134 : i32 to index
      %parallel_loop3A_164 = arith.constant 32 : index
      %parallel_loop3A_165 = tpu.vector_load %arg9[%parallel_loop3A_163, %parallel_loop3A_164] {strides = array<i32>} : memref<128x128xf32, #tpu.memory_space<vmem>>, vector<1x16xf32>,
      %parallel_loop3A_166 = vector.shape_cast %parallel_loop3A_165 : vector<1x16xf32> to vector<16xf32>
      %parallel_loop3A_167 = arith.index_cast %parallel_loop3A_134 : i32 to index
      %parallel_loop3A_168 = arith.constant 32 : index
      %parallel_loop3A_169 = tpu.vector_load %arg11[%parallel_loop3A_167, %parallel_loop3A_168] {strides = array<i32>} : memref<128x128xf32, #tpu.memory_space<vmem>>, vector<1x16xf32>,
      %parallel_loop3A_170 = vector.shape_cast %parallel_loop3A_169 : vector<1x16xf32> to vector<16xf32>
      %parallel_loop3A_171 = arith.mulf %parallel_loop3A_166, %parallel_loop3A_170 : vector<16xf32>
      %parallel_loop3A_172 = arith.index_cast %parallel_loop3A_134 : i32 to index
      %parallel_loop3A_173 = arith.constant 32 : index
      %parallel_loop3A_174 = tpu.vector_load %arg9[%parallel_loop3A_172, %parallel_loop3A_173] {strides = array<i32>} : memref<128x128xf32, #tpu.memory_space<vmem>>, vector<1x16xf32>,
      %parallel_loop3A_175 = vector.shape_cast %parallel_loop3A_174 : vector<1x16xf32> to vector<16xf32>
      %parallel_loop3A_176 = vector.shape_cast %parallel_loop3A_171 : vector<16xf32> to vector<1x16xf32>
      tpu.vector_store %arg9[%parallel_loop3A_172, %parallel_loop3A_173], %parallel_loop3A_176 {strides = array<i32>} : memref<128x128xf32, #tpu.memory_space<vmem>>, vector<1x16xf32>,
      %parallel_loop3A_177 = arith.index_cast %parallel_loop3A_134 : i32 to index
      %parallel_loop3A_178 = arith.constant 48 : index
      %parallel_loop3A_179 = tpu.vector_load %arg9[%parallel_loop3A_177, %parallel_loop3A_178] {strides = array<i32>} : memref<128x128xf32, #tpu.memory_space<vmem>>, vector<1x16xf32>,
      %parallel_loop3A_180 = vector.shape_cast %parallel_loop3A_179 : vector<1x16xf32> to vector<16xf32>
      %parallel_loop3A_181 = arith.index_cast %parallel_loop3A_134 : i32 to index
      %parallel_loop3A_182 = arith.constant 48 : index
      %parallel_loop3A_183 = tpu.vector_load %arg11[%parallel_loop3A_181, %parallel_loop3A_182] {strides = array<i32>} : memref<128x128xf32, #tpu.memory_space<vmem>>, vector<1x16xf32>,
      %parallel_loop3A_184 = vector.shape_cast %parallel_loop3A_183 : vector<1x16xf32> to vector<16xf32>
      %parallel_loop3A_185 = arith.mulf %parallel_loop3A_180, %parallel_loop3A_184 : vector<16xf32>
      %parallel_loop3A_186 = arith.index_cast %parallel_loop3A_134 : i32 to index
      %parallel_loop3A_187 = arith.constant 48 : index
      %parallel_loop3A_188 = tpu.vector_load %arg9[%parallel_loop3A_186, %parallel_loop3A_187] {strides = array<i32>} : memref<128x128xf32, #tpu.memory_space<vmem>>, vector<1x16xf32>,
      %parallel_loop3A_189 = vector.shape_cast %parallel_loop3A_188 : vector<1x16xf32> to vector<16xf32>
      %parallel_loop3A_190 = vector.shape_cast %parallel_loop3A_185 : vector<16xf32> to vector<1x16xf32>
      tpu.vector_store %arg9[%parallel_loop3A_186, %parallel_loop3A_187], %parallel_loop3A_190 {strides = array<i32>} : memref<128x128xf32, #tpu.memory_space<vmem>>, vector<1x16xf32>,
      %parallel_loop3A_191 = arith.index_cast %parallel_loop3A_134 : i32 to index
      %parallel_loop3A_192 = arith.constant 64 : index
      %parallel_loop3A_193 = tpu.vector_load %arg9[%parallel_loop3A_191, %parallel_loop3A_192] {strides = array<i32>} : memref<128x128xf32, #tpu.memory_space<vmem>>, vector<1x16xf32>,
      %parallel_loop3A_194 = vector.shape_cast %parallel_loop3A_193 : vector<1x16xf32> to vector<16xf32>
      %parallel_loop3A_195 = arith.index_cast %parallel_loop3A_134 : i32 to index
      %parallel_loop3A_196 = arith.constant 64 : index
      %parallel_loop3A_197 = tpu.vector_load %arg11[%parallel_loop3A_195, %parallel_loop3A_196] {strides = array<i32>} : memref<128x128xf32, #tpu.memory_space<vmem>>, vector<1x16xf32>,
      %parallel_loop3A_198 = vector.shape_cast %parallel_loop3A_197 : vector<1x16xf32> to vector<16xf32>
      %parallel_loop3A_199 = arith.mulf %parallel_loop3A_194, %parallel_loop3A_198 : vector<16xf32>
      %parallel_loop3A_200 = arith.index_cast %parallel_loop3A_134 : i32 to index
      %parallel_loop3A_201 = arith.constant 64 : index
      %parallel_loop3A_202 = tpu.vector_load %arg9[%parallel_loop3A_200, %parallel_loop3A_201] {strides = array<i32>} : memref<128x128xf32, #tpu.memory_space<vmem>>, vector<1x16xf32>,
      %parallel_loop3A_203 = vector.shape_cast %parallel_loop3A_202 : vector<1x16xf32> to vector<16xf32>
      %parallel_loop3A_204 = vector.shape_cast %parallel_loop3A_199 : vector<16xf32> to vector<1x16xf32>
      tpu.vector_store %arg9[%parallel_loop3A_200, %parallel_loop3A_201], %parallel_loop3A_204 {strides = array<i32>} : memref<128x128xf32, #tpu.memory_space<vmem>>, vector<1x16xf32>,
      %parallel_loop3A_205 = arith.index_cast %parallel_loop3A_134 : i32 to index
      %parallel_loop3A_206 = arith.constant 80 : index
      %parallel_loop3A_207 = tpu.vector_load %arg9[%parallel_loop3A_205, %parallel_loop3A_206] {strides = array<i32>} : memref<128x128xf32, #tpu.memory_space<vmem>>, vector<1x16xf32>,
      %parallel_loop3A_208 = vector.shape_cast %parallel_loop3A_207 : vector<1x16xf32> to vector<16xf32>
      %parallel_loop3A_209 = arith.index_cast %parallel_loop3A_134 : i32 to index
      %parallel_loop3A_210 = arith.constant 80 : index
      %parallel_loop3A_211 = tpu.vector_load %arg11[%parallel_loop3A_209, %parallel_loop3A_210] {strides = array<i32>} : memref<128x128xf32, #tpu.memory_space<vmem>>, vector<1x16xf32>,
      %parallel_loop3A_212 = vector.shape_cast %parallel_loop3A_211 : vector<1x16xf32> to vector<16xf32>
      %parallel_loop3A_213 = arith.mulf %parallel_loop3A_208, %parallel_loop3A_212 : vector<16xf32>
      %parallel_loop3A_214 = arith.index_cast %parallel_loop3A_134 : i32 to index
      %parallel_loop3A_215 = arith.constant 80 : index
      %parallel_loop3A_216 = tpu.vector_load %arg9[%parallel_loop3A_214, %parallel_loop3A_215] {strides = array<i32>} : memref<128x128xf32, #tpu.memory_space<vmem>>, vector<1x16xf32>,
      %parallel_loop3A_217 = vector.shape_cast %parallel_loop3A_216 : vector<1x16xf32> to vector<16xf32>
      %parallel_loop3A_218 = vector.shape_cast %parallel_loop3A_213 : vector<16xf32> to vector<1x16xf32>
      tpu.vector_store %arg9[%parallel_loop3A_214, %parallel_loop3A_215], %parallel_loop3A_218 {strides = array<i32>} : memref<128x128xf32, #tpu.memory_space<vmem>>, vector<1x16xf32>,
      %parallel_loop3A_219 = arith.index_cast %parallel_loop3A_134 : i32 to index
      %parallel_loop3A_220 = arith.constant 96 : index
      %parallel_loop3A_221 = tpu.vector_load %arg9[%parallel_loop3A_219, %parallel_loop3A_220] {strides = array<i32>} : memref<128x128xf32, #tpu.memory_space<vmem>>, vector<1x16xf32>,
      %parallel_loop3A_222 = vector.shape_cast %parallel_loop3A_221 : vector<1x16xf32> to vector<16xf32>
      %parallel_loop3A_223 = arith.index_cast %parallel_loop3A_134 : i32 to index
      %parallel_loop3A_224 = arith.constant 96 : index
      %parallel_loop3A_225 = tpu.vector_load %arg11[%parallel_loop3A_223, %parallel_loop3A_224] {strides = array<i32>} : memref<128x128xf32, #tpu.memory_space<vmem>>, vector<1x16xf32>,
      %parallel_loop3A_226 = vector.shape_cast %parallel_loop3A_225 : vector<1x16xf32> to vector<16xf32>
      %parallel_loop3A_227 = arith.mulf %parallel_loop3A_222, %parallel_loop3A_226 : vector<16xf32>
      %parallel_loop3A_228 = arith.index_cast %parallel_loop3A_134 : i32 to index
      %parallel_loop3A_229 = arith.constant 96 : index
      %parallel_loop3A_230 = tpu.vector_load %arg9[%parallel_loop3A_228, %parallel_loop3A_229] {strides = array<i32>} : memref<128x128xf32, #tpu.memory_space<vmem>>, vector<1x16xf32>,
      %parallel_loop3A_231 = vector.shape_cast %parallel_loop3A_230 : vector<1x16xf32> to vector<16xf32>
      %parallel_loop3A_232 = vector.shape_cast %parallel_loop3A_227 : vector<16xf32> to vector<1x16xf32>
      tpu.vector_store %arg9[%parallel_loop3A_228, %parallel_loop3A_229], %parallel_loop3A_232 {strides = array<i32>} : memref<128x128xf32, #tpu.memory_space<vmem>>, vector<1x16xf32>,
      %parallel_loop3A_233 = arith.index_cast %parallel_loop3A_134 : i32 to index
      %parallel_loop3A_234 = arith.constant 112 : index
      %parallel_loop3A_235 = tpu.vector_load %arg9[%parallel_loop3A_233, %parallel_loop3A_234] {strides = array<i32>} : memref<128x128xf32, #tpu.memory_space<vmem>>, vector<1x16xf32>,
      %parallel_loop3A_236 = vector.shape_cast %parallel_loop3A_235 : vector<1x16xf32> to vector<16xf32>
      %parallel_loop3A_237 = arith.index_cast %parallel_loop3A_134 : i32 to index
      %parallel_loop3A_238 = arith.constant 112 : index
      %parallel_loop3A_239 = tpu.vector_load %arg11[%parallel_loop3A_237, %parallel_loop3A_238] {strides = array<i32>} : memref<128x128xf32, #tpu.memory_space<vmem>>, vector<1x16xf32>,
      %parallel_loop3A_240 = vector.shape_cast %parallel_loop3A_239 : vector<1x16xf32> to vector<16xf32>
      %parallel_loop3A_241 = arith.mulf %parallel_loop3A_236, %parallel_loop3A_240 : vector<16xf32>
      %parallel_loop3A_242 = arith.index_cast %parallel_loop3A_134 : i32 to index
      %parallel_loop3A_243 = arith.constant 112 : index
      %parallel_loop3A_244 = tpu.vector_load %arg9[%parallel_loop3A_242, %parallel_loop3A_243] {strides = array<i32>} : memref<128x128xf32, #tpu.memory_space<vmem>>, vector<1x16xf32>,
      %parallel_loop3A_245 = vector.shape_cast %parallel_loop3A_244 : vector<1x16xf32> to vector<16xf32>
      %parallel_loop3A_246 = vector.shape_cast %parallel_loop3A_241 : vector<16xf32> to vector<1x16xf32>
      tpu.vector_store %arg9[%parallel_loop3A_242, %parallel_loop3A_243], %parallel_loop3A_246 {strides = array<i32>} : memref<128x128xf32, #tpu.memory_space<vmem>>, vector<1x16xf32>,
    } {sc.loop_unroll_factor = 8 : i64, sc.parallel_access}
    "tpu.trace_stop"() : () -> ()
    %add3A_69 = arith.constant 128 : i32
    %add3A_70 = arith.addi %mul3A_2, %add3A_69 : i32
    %dma_start3A_71 = arith.constant 0 : i32
    %dma_start3A_72 = tpu.memref_slice %arg5[%add3A_70, %dma_start3A_71] : memref<16384x128xf32, #tpu.memory_space<hbm>> -> memref<128x128xf32, #tpu.memory_space<hbm>>
    %dma_start3A_73 = arith.constant 0 : i32
    %dma_start3A_74 = tpu.memref_slice %arg5[%add3A_70, %dma_start3A_73] : memref<16384x128xf32, #tpu.memory_space<hbm>> -> memref<128x128xf32, #tpu.memory_space<hbm>>
    tpu.enqueue_dma source(%arg9 : memref<128x128xf32, #tpu.memory_space<vmem>>) target(%dma_start3A_74 : memref<128x128xf32, #tpu.memory_space<hbm>>) target_semaphore(%arg17 : memref<!tpu.dma_semaphore, #tpu.memory_space<semaphore_mem>>)
    %dma_wait3A_75 = arith.constant 0 : i32
    %dma_wait3A_76 = tpu.memref_slice %arg5[%add3A_70, %dma_wait3A_75] : memref<16384x128xf32, #tpu.memory_space<hbm>> -> memref<128x128xf32, #tpu.memory_space<hbm>>
    %dma_wait3A_77 = arith.constant 0 : i32
    %dma_wait3A_78 = tpu.memref_slice %arg5[%add3A_70, %dma_wait3A_77] : memref<16384x128xf32, #tpu.memory_space<hbm>> -> memref<128x128xf32, #tpu.memory_space<hbm>>
    tpu.wait_dma2 semaphore(%arg17 : memref<!tpu.dma_semaphore, #tpu.memory_space<semaphore_mem>>) src(%arg9 : memref<128x128xf32, #tpu.memory_space<vmem>>) dst(%dma_wait3A_78 : memref<128x128xf32, #tpu.memory_space<hbm>>)
    %dma_start3A_79 = arith.constant 384 : i32
    %dma_start3A_80 = tpu.memref_slice %arg6[%dma_start3A_79] : memref<512xi32, #tpu.memory_space<vmem>> -> memref<128xi32, #tpu.memory_space<vmem>>
    %dma_start3A_81 = arith.constant 0 : i32
    %dma_start3A_82 = arith.constant 0 : i32
    %dma_start3A_83 = tpu.memref_slice %arg7[%dma_start3A_81, %dma_start3A_82] : memref<1000x128xf32, #tpu.memory_space<vmem_shared>> -> memref<1000x128xf32, #tpu.memory_space<vmem_shared>>
    tpu.enqueue_indirect_dma source(%dma_start3A_83 : memref<1000x128xf32, #tpu.memory_space<vmem_shared>>) target(%arg9 : memref<128x128xf32, #tpu.memory_space<vmem>>) offsets(%dma_start3A_80 : memref<128xi32, #tpu.memory_space<vmem>>) semaphore(%arg13 : memref<!tpu.dma_semaphore, #tpu.memory_space<semaphore_mem>>)
    %add3A_84 = arith.constant 384 : i32
    %add3A_85 = arith.addi %mul3A_2, %add3A_84 : i32
    %dma_start3A_86 = arith.constant 0 : i32
    %dma_start3A_87 = tpu.memref_slice %arg4[%add3A_85, %dma_start3A_86] : memref<16384x128xf32, #tpu.memory_space<hbm>> -> memref<128x128xf32, #tpu.memory_space<hbm>>
    %dma_start3A_88 = arith.constant 0 : i32
    %dma_start3A_89 = tpu.memref_slice %arg4[%add3A_85, %dma_start3A_88] : memref<16384x128xf32, #tpu.memory_space<hbm>> -> memref<128x128xf32, #tpu.memory_space<hbm>>
    tpu.enqueue_dma source(%dma_start3A_89 : memref<128x128xf32, #tpu.memory_space<hbm>>) target(%arg11 : memref<128x128xf32, #tpu.memory_space<vmem>>) target_semaphore(%arg15 : memref<!tpu.dma_semaphore, #tpu.memory_space<semaphore_mem>>)
    "tpu.trace_start"() <{level = 10 : i32, message = "ph_wg2"}> : () -> ()
    %dma_wait3A_90 = arith.constant 256 : i32
    %dma_wait3A_91 = tpu.memref_slice %arg6[%dma_wait3A_90] : memref<512xi32, #tpu.memory_space<vmem>> -> memref<128xi32, #tpu.memory_space<vmem>>
    %dma_wait3A_92 = arith.constant 0 : i32
    %dma_wait3A_93 = arith.constant 0 : i32
    %dma_wait3A_94 = tpu.memref_slice %arg7[%dma_wait3A_92, %dma_wait3A_93] : memref<1000x128xf32, #tpu.memory_space<vmem_shared>> -> memref<1000x128xf32, #tpu.memory_space<vmem_shared>>
    tpu.wait_indirect_dma semaphore(%arg12 : memref<!tpu.dma_semaphore, #tpu.memory_space<semaphore_mem>>) src(%dma_wait3A_94 : memref<1000x128xf32, #tpu.memory_space<vmem_shared>>) dst(%arg8 : memref<128x128xf32, #tpu.memory_space<vmem>>)
    "tpu.trace_stop"() : () -> ()
    "tpu.trace_start"() <{level = 10 : i32, message = "ph_wz2"}> : () -> ()
    %dma_wait3A_95 = arith.constant 0 : i32
    %dma_wait3A_96 = tpu.memref_slice %arg4[%add3A_52, %dma_wait3A_95] : memref<16384x128xf32, #tpu.memory_space<hbm>> -> memref<128x128xf32, #tpu.memory_space<hbm>>
    %dma_wait3A_97 = arith.constant 0 : i32
    %dma_wait3A_98 = tpu.memref_slice %arg4[%add3A_52, %dma_wait3A_97] : memref<16384x128xf32, #tpu.memory_space<hbm>> -> memref<128x128xf32, #tpu.memory_space<hbm>>
    tpu.wait_dma2 semaphore(%arg14 : memref<!tpu.dma_semaphore, #tpu.memory_space<semaphore_mem>>) src(%dma_wait3A_98 : memref<128x128xf32, #tpu.memory_space<hbm>>) dst(%arg10 : memref<128x128xf32, #tpu.memory_space<vmem>>)
    %parallel_loop3A_99 = arith.constant 0 : i32
    %parallel_loop3A_100 = arith.constant 128 : i32
    %parallel_loop3A_101 = arith.constant 1 : i32
    "tpu.trace_stop"() : () -> ()
    "tpu.trace_start"() <{level = 10 : i32, message = "ph_mul2"}> : () -> ()
    scf.for %parallel_loop3A_134 = %parallel_loop3A_99 to %parallel_loop3A_100 step %parallel_loop3A_101  : i32 {
      %parallel_loop3A_135 = arith.index_cast %parallel_loop3A_134 : i32 to index
      %parallel_loop3A_136 = arith.constant 0 : index
      %parallel_loop3A_137 = tpu.vector_load %arg8[%parallel_loop3A_135, %parallel_loop3A_136] {strides = array<i32>} : memref<128x128xf32, #tpu.memory_space<vmem>>, vector<1x16xf32>,
      %parallel_loop3A_138 = vector.shape_cast %parallel_loop3A_137 : vector<1x16xf32> to vector<16xf32>
      %parallel_loop3A_139 = arith.index_cast %parallel_loop3A_134 : i32 to index
      %parallel_loop3A_140 = arith.constant 0 : index
      %parallel_loop3A_141 = tpu.vector_load %arg10[%parallel_loop3A_139, %parallel_loop3A_140] {strides = array<i32>} : memref<128x128xf32, #tpu.memory_space<vmem>>, vector<1x16xf32>,
      %parallel_loop3A_142 = vector.shape_cast %parallel_loop3A_141 : vector<1x16xf32> to vector<16xf32>
      %parallel_loop3A_143 = arith.mulf %parallel_loop3A_138, %parallel_loop3A_142 : vector<16xf32>
      %parallel_loop3A_144 = arith.index_cast %parallel_loop3A_134 : i32 to index
      %parallel_loop3A_145 = arith.constant 0 : index
      %parallel_loop3A_146 = tpu.vector_load %arg8[%parallel_loop3A_144, %parallel_loop3A_145] {strides = array<i32>} : memref<128x128xf32, #tpu.memory_space<vmem>>, vector<1x16xf32>,
      %parallel_loop3A_147 = vector.shape_cast %parallel_loop3A_146 : vector<1x16xf32> to vector<16xf32>
      %parallel_loop3A_148 = vector.shape_cast %parallel_loop3A_143 : vector<16xf32> to vector<1x16xf32>
      tpu.vector_store %arg8[%parallel_loop3A_144, %parallel_loop3A_145], %parallel_loop3A_148 {strides = array<i32>} : memref<128x128xf32, #tpu.memory_space<vmem>>, vector<1x16xf32>,
      %parallel_loop3A_149 = arith.index_cast %parallel_loop3A_134 : i32 to index
      %parallel_loop3A_150 = arith.constant 16 : index
      %parallel_loop3A_151 = tpu.vector_load %arg8[%parallel_loop3A_149, %parallel_loop3A_150] {strides = array<i32>} : memref<128x128xf32, #tpu.memory_space<vmem>>, vector<1x16xf32>,
      %parallel_loop3A_152 = vector.shape_cast %parallel_loop3A_151 : vector<1x16xf32> to vector<16xf32>
      %parallel_loop3A_153 = arith.index_cast %parallel_loop3A_134 : i32 to index
      %parallel_loop3A_154 = arith.constant 16 : index
      %parallel_loop3A_155 = tpu.vector_load %arg10[%parallel_loop3A_153, %parallel_loop3A_154] {strides = array<i32>} : memref<128x128xf32, #tpu.memory_space<vmem>>, vector<1x16xf32>,
      %parallel_loop3A_156 = vector.shape_cast %parallel_loop3A_155 : vector<1x16xf32> to vector<16xf32>
      %parallel_loop3A_157 = arith.mulf %parallel_loop3A_152, %parallel_loop3A_156 : vector<16xf32>
      %parallel_loop3A_158 = arith.index_cast %parallel_loop3A_134 : i32 to index
      %parallel_loop3A_159 = arith.constant 16 : index
      %parallel_loop3A_160 = tpu.vector_load %arg8[%parallel_loop3A_158, %parallel_loop3A_159] {strides = array<i32>} : memref<128x128xf32, #tpu.memory_space<vmem>>, vector<1x16xf32>,
      %parallel_loop3A_161 = vector.shape_cast %parallel_loop3A_160 : vector<1x16xf32> to vector<16xf32>
      %parallel_loop3A_162 = vector.shape_cast %parallel_loop3A_157 : vector<16xf32> to vector<1x16xf32>
      tpu.vector_store %arg8[%parallel_loop3A_158, %parallel_loop3A_159], %parallel_loop3A_162 {strides = array<i32>} : memref<128x128xf32, #tpu.memory_space<vmem>>, vector<1x16xf32>,
      %parallel_loop3A_163 = arith.index_cast %parallel_loop3A_134 : i32 to index
      %parallel_loop3A_164 = arith.constant 32 : index
      %parallel_loop3A_165 = tpu.vector_load %arg8[%parallel_loop3A_163, %parallel_loop3A_164] {strides = array<i32>} : memref<128x128xf32, #tpu.memory_space<vmem>>, vector<1x16xf32>,
      %parallel_loop3A_166 = vector.shape_cast %parallel_loop3A_165 : vector<1x16xf32> to vector<16xf32>
      %parallel_loop3A_167 = arith.index_cast %parallel_loop3A_134 : i32 to index
      %parallel_loop3A_168 = arith.constant 32 : index
      %parallel_loop3A_169 = tpu.vector_load %arg10[%parallel_loop3A_167, %parallel_loop3A_168] {strides = array<i32>} : memref<128x128xf32, #tpu.memory_space<vmem>>, vector<1x16xf32>,
      %parallel_loop3A_170 = vector.shape_cast %parallel_loop3A_169 : vector<1x16xf32> to vector<16xf32>
      %parallel_loop3A_171 = arith.mulf %parallel_loop3A_166, %parallel_loop3A_170 : vector<16xf32>
      %parallel_loop3A_172 = arith.index_cast %parallel_loop3A_134 : i32 to index
      %parallel_loop3A_173 = arith.constant 32 : index
      %parallel_loop3A_174 = tpu.vector_load %arg8[%parallel_loop3A_172, %parallel_loop3A_173] {strides = array<i32>} : memref<128x128xf32, #tpu.memory_space<vmem>>, vector<1x16xf32>,
      %parallel_loop3A_175 = vector.shape_cast %parallel_loop3A_174 : vector<1x16xf32> to vector<16xf32>
      %parallel_loop3A_176 = vector.shape_cast %parallel_loop3A_171 : vector<16xf32> to vector<1x16xf32>
      tpu.vector_store %arg8[%parallel_loop3A_172, %parallel_loop3A_173], %parallel_loop3A_176 {strides = array<i32>} : memref<128x128xf32, #tpu.memory_space<vmem>>, vector<1x16xf32>,
      %parallel_loop3A_177 = arith.index_cast %parallel_loop3A_134 : i32 to index
      %parallel_loop3A_178 = arith.constant 48 : index
      %parallel_loop3A_179 = tpu.vector_load %arg8[%parallel_loop3A_177, %parallel_loop3A_178] {strides = array<i32>} : memref<128x128xf32, #tpu.memory_space<vmem>>, vector<1x16xf32>,
      %parallel_loop3A_180 = vector.shape_cast %parallel_loop3A_179 : vector<1x16xf32> to vector<16xf32>
      %parallel_loop3A_181 = arith.index_cast %parallel_loop3A_134 : i32 to index
      %parallel_loop3A_182 = arith.constant 48 : index
      %parallel_loop3A_183 = tpu.vector_load %arg10[%parallel_loop3A_181, %parallel_loop3A_182] {strides = array<i32>} : memref<128x128xf32, #tpu.memory_space<vmem>>, vector<1x16xf32>,
      %parallel_loop3A_184 = vector.shape_cast %parallel_loop3A_183 : vector<1x16xf32> to vector<16xf32>
      %parallel_loop3A_185 = arith.mulf %parallel_loop3A_180, %parallel_loop3A_184 : vector<16xf32>
      %parallel_loop3A_186 = arith.index_cast %parallel_loop3A_134 : i32 to index
      %parallel_loop3A_187 = arith.constant 48 : index
      %parallel_loop3A_188 = tpu.vector_load %arg8[%parallel_loop3A_186, %parallel_loop3A_187] {strides = array<i32>} : memref<128x128xf32, #tpu.memory_space<vmem>>, vector<1x16xf32>,
      %parallel_loop3A_189 = vector.shape_cast %parallel_loop3A_188 : vector<1x16xf32> to vector<16xf32>
      %parallel_loop3A_190 = vector.shape_cast %parallel_loop3A_185 : vector<16xf32> to vector<1x16xf32>
      tpu.vector_store %arg8[%parallel_loop3A_186, %parallel_loop3A_187], %parallel_loop3A_190 {strides = array<i32>} : memref<128x128xf32, #tpu.memory_space<vmem>>, vector<1x16xf32>,
      %parallel_loop3A_191 = arith.index_cast %parallel_loop3A_134 : i32 to index
      %parallel_loop3A_192 = arith.constant 64 : index
      %parallel_loop3A_193 = tpu.vector_load %arg8[%parallel_loop3A_191, %parallel_loop3A_192] {strides = array<i32>} : memref<128x128xf32, #tpu.memory_space<vmem>>, vector<1x16xf32>,
      %parallel_loop3A_194 = vector.shape_cast %parallel_loop3A_193 : vector<1x16xf32> to vector<16xf32>
      %parallel_loop3A_195 = arith.index_cast %parallel_loop3A_134 : i32 to index
      %parallel_loop3A_196 = arith.constant 64 : index
      %parallel_loop3A_197 = tpu.vector_load %arg10[%parallel_loop3A_195, %parallel_loop3A_196] {strides = array<i32>} : memref<128x128xf32, #tpu.memory_space<vmem>>, vector<1x16xf32>,
      %parallel_loop3A_198 = vector.shape_cast %parallel_loop3A_197 : vector<1x16xf32> to vector<16xf32>
      %parallel_loop3A_199 = arith.mulf %parallel_loop3A_194, %parallel_loop3A_198 : vector<16xf32>
      %parallel_loop3A_200 = arith.index_cast %parallel_loop3A_134 : i32 to index
      %parallel_loop3A_201 = arith.constant 64 : index
      %parallel_loop3A_202 = tpu.vector_load %arg8[%parallel_loop3A_200, %parallel_loop3A_201] {strides = array<i32>} : memref<128x128xf32, #tpu.memory_space<vmem>>, vector<1x16xf32>,
      %parallel_loop3A_203 = vector.shape_cast %parallel_loop3A_202 : vector<1x16xf32> to vector<16xf32>
      %parallel_loop3A_204 = vector.shape_cast %parallel_loop3A_199 : vector<16xf32> to vector<1x16xf32>
      tpu.vector_store %arg8[%parallel_loop3A_200, %parallel_loop3A_201], %parallel_loop3A_204 {strides = array<i32>} : memref<128x128xf32, #tpu.memory_space<vmem>>, vector<1x16xf32>,
      %parallel_loop3A_205 = arith.index_cast %parallel_loop3A_134 : i32 to index
      %parallel_loop3A_206 = arith.constant 80 : index
      %parallel_loop3A_207 = tpu.vector_load %arg8[%parallel_loop3A_205, %parallel_loop3A_206] {strides = array<i32>} : memref<128x128xf32, #tpu.memory_space<vmem>>, vector<1x16xf32>,
      %parallel_loop3A_208 = vector.shape_cast %parallel_loop3A_207 : vector<1x16xf32> to vector<16xf32>
      %parallel_loop3A_209 = arith.index_cast %parallel_loop3A_134 : i32 to index
      %parallel_loop3A_210 = arith.constant 80 : index
      %parallel_loop3A_211 = tpu.vector_load %arg10[%parallel_loop3A_209, %parallel_loop3A_210] {strides = array<i32>} : memref<128x128xf32, #tpu.memory_space<vmem>>, vector<1x16xf32>,
      %parallel_loop3A_212 = vector.shape_cast %parallel_loop3A_211 : vector<1x16xf32> to vector<16xf32>
      %parallel_loop3A_213 = arith.mulf %parallel_loop3A_208, %parallel_loop3A_212 : vector<16xf32>
      %parallel_loop3A_214 = arith.index_cast %parallel_loop3A_134 : i32 to index
      %parallel_loop3A_215 = arith.constant 80 : index
      %parallel_loop3A_216 = tpu.vector_load %arg8[%parallel_loop3A_214, %parallel_loop3A_215] {strides = array<i32>} : memref<128x128xf32, #tpu.memory_space<vmem>>, vector<1x16xf32>,
      %parallel_loop3A_217 = vector.shape_cast %parallel_loop3A_216 : vector<1x16xf32> to vector<16xf32>
      %parallel_loop3A_218 = vector.shape_cast %parallel_loop3A_213 : vector<16xf32> to vector<1x16xf32>
      tpu.vector_store %arg8[%parallel_loop3A_214, %parallel_loop3A_215], %parallel_loop3A_218 {strides = array<i32>} : memref<128x128xf32, #tpu.memory_space<vmem>>, vector<1x16xf32>,
      %parallel_loop3A_219 = arith.index_cast %parallel_loop3A_134 : i32 to index
      %parallel_loop3A_220 = arith.constant 96 : index
      %parallel_loop3A_221 = tpu.vector_load %arg8[%parallel_loop3A_219, %parallel_loop3A_220] {strides = array<i32>} : memref<128x128xf32, #tpu.memory_space<vmem>>, vector<1x16xf32>,
      %parallel_loop3A_222 = vector.shape_cast %parallel_loop3A_221 : vector<1x16xf32> to vector<16xf32>
      %parallel_loop3A_223 = arith.index_cast %parallel_loop3A_134 : i32 to index
      %parallel_loop3A_224 = arith.constant 96 : index
      %parallel_loop3A_225 = tpu.vector_load %arg10[%parallel_loop3A_223, %parallel_loop3A_224] {strides = array<i32>} : memref<128x128xf32, #tpu.memory_space<vmem>>, vector<1x16xf32>,
      %parallel_loop3A_226 = vector.shape_cast %parallel_loop3A_225 : vector<1x16xf32> to vector<16xf32>
      %parallel_loop3A_227 = arith.mulf %parallel_loop3A_222, %parallel_loop3A_226 : vector<16xf32>
      %parallel_loop3A_228 = arith.index_cast %parallel_loop3A_134 : i32 to index
      %parallel_loop3A_229 = arith.constant 96 : index
      %parallel_loop3A_230 = tpu.vector_load %arg8[%parallel_loop3A_228, %parallel_loop3A_229] {strides = array<i32>} : memref<128x128xf32, #tpu.memory_space<vmem>>, vector<1x16xf32>,
      %parallel_loop3A_231 = vector.shape_cast %parallel_loop3A_230 : vector<1x16xf32> to vector<16xf32>
      %parallel_loop3A_232 = vector.shape_cast %parallel_loop3A_227 : vector<16xf32> to vector<1x16xf32>
      tpu.vector_store %arg8[%parallel_loop3A_228, %parallel_loop3A_229], %parallel_loop3A_232 {strides = array<i32>} : memref<128x128xf32, #tpu.memory_space<vmem>>, vector<1x16xf32>,
      %parallel_loop3A_233 = arith.index_cast %parallel_loop3A_134 : i32 to index
      %parallel_loop3A_234 = arith.constant 112 : index
      %parallel_loop3A_235 = tpu.vector_load %arg8[%parallel_loop3A_233, %parallel_loop3A_234] {strides = array<i32>} : memref<128x128xf32, #tpu.memory_space<vmem>>, vector<1x16xf32>,
      %parallel_loop3A_236 = vector.shape_cast %parallel_loop3A_235 : vector<1x16xf32> to vector<16xf32>
      %parallel_loop3A_237 = arith.index_cast %parallel_loop3A_134 : i32 to index
      %parallel_loop3A_238 = arith.constant 112 : index
      %parallel_loop3A_239 = tpu.vector_load %arg10[%parallel_loop3A_237, %parallel_loop3A_238] {strides = array<i32>} : memref<128x128xf32, #tpu.memory_space<vmem>>, vector<1x16xf32>,
      %parallel_loop3A_240 = vector.shape_cast %parallel_loop3A_239 : vector<1x16xf32> to vector<16xf32>
      %parallel_loop3A_241 = arith.mulf %parallel_loop3A_236, %parallel_loop3A_240 : vector<16xf32>
      %parallel_loop3A_242 = arith.index_cast %parallel_loop3A_134 : i32 to index
      %parallel_loop3A_243 = arith.constant 112 : index
      %parallel_loop3A_244 = tpu.vector_load %arg8[%parallel_loop3A_242, %parallel_loop3A_243] {strides = array<i32>} : memref<128x128xf32, #tpu.memory_space<vmem>>, vector<1x16xf32>,
      %parallel_loop3A_245 = vector.shape_cast %parallel_loop3A_244 : vector<1x16xf32> to vector<16xf32>
      %parallel_loop3A_246 = vector.shape_cast %parallel_loop3A_241 : vector<16xf32> to vector<1x16xf32>
      tpu.vector_store %arg8[%parallel_loop3A_242, %parallel_loop3A_243], %parallel_loop3A_246 {strides = array<i32>} : memref<128x128xf32, #tpu.memory_space<vmem>>, vector<1x16xf32>,
    } {sc.loop_unroll_factor = 8 : i64, sc.parallel_access}
    "tpu.trace_stop"() : () -> ()
    %add3A_102 = arith.constant 256 : i32
    %add3A_103 = arith.addi %mul3A_2, %add3A_102 : i32
    %dma_start3A_104 = arith.constant 0 : i32
    %dma_start3A_105 = tpu.memref_slice %arg5[%add3A_103, %dma_start3A_104] : memref<16384x128xf32, #tpu.memory_space<hbm>> -> memref<128x128xf32, #tpu.memory_space<hbm>>
    %dma_start3A_106 = arith.constant 0 : i32
    %dma_start3A_107 = tpu.memref_slice %arg5[%add3A_103, %dma_start3A_106] : memref<16384x128xf32, #tpu.memory_space<hbm>> -> memref<128x128xf32, #tpu.memory_space<hbm>>
    tpu.enqueue_dma source(%arg8 : memref<128x128xf32, #tpu.memory_space<vmem>>) target(%dma_start3A_107 : memref<128x128xf32, #tpu.memory_space<hbm>>) target_semaphore(%arg16 : memref<!tpu.dma_semaphore, #tpu.memory_space<semaphore_mem>>)
    "tpu.trace_start"() <{level = 10 : i32, message = "ph_wg3"}> : () -> ()
    %dma_wait3A_108 = arith.constant 384 : i32
    %dma_wait3A_109 = tpu.memref_slice %arg6[%dma_wait3A_108] : memref<512xi32, #tpu.memory_space<vmem>> -> memref<128xi32, #tpu.memory_space<vmem>>
    %dma_wait3A_110 = arith.constant 0 : i32
    %dma_wait3A_111 = arith.constant 0 : i32
    %dma_wait3A_112 = tpu.memref_slice %arg7[%dma_wait3A_110, %dma_wait3A_111] : memref<1000x128xf32, #tpu.memory_space<vmem_shared>> -> memref<1000x128xf32, #tpu.memory_space<vmem_shared>>
    tpu.wait_indirect_dma semaphore(%arg13 : memref<!tpu.dma_semaphore, #tpu.memory_space<semaphore_mem>>) src(%dma_wait3A_112 : memref<1000x128xf32, #tpu.memory_space<vmem_shared>>) dst(%arg9 : memref<128x128xf32, #tpu.memory_space<vmem>>)
    "tpu.trace_stop"() : () -> ()
    "tpu.trace_start"() <{level = 10 : i32, message = "ph_wz3"}> : () -> ()
    %dma_wait3A_113 = arith.constant 0 : i32
    %dma_wait3A_114 = tpu.memref_slice %arg4[%add3A_85, %dma_wait3A_113] : memref<16384x128xf32, #tpu.memory_space<hbm>> -> memref<128x128xf32, #tpu.memory_space<hbm>>
    %dma_wait3A_115 = arith.constant 0 : i32
    %dma_wait3A_116 = tpu.memref_slice %arg4[%add3A_85, %dma_wait3A_115] : memref<16384x128xf32, #tpu.memory_space<hbm>> -> memref<128x128xf32, #tpu.memory_space<hbm>>
    tpu.wait_dma2 semaphore(%arg15 : memref<!tpu.dma_semaphore, #tpu.memory_space<semaphore_mem>>) src(%dma_wait3A_116 : memref<128x128xf32, #tpu.memory_space<hbm>>) dst(%arg11 : memref<128x128xf32, #tpu.memory_space<vmem>>)
    %parallel_loop3A_117 = arith.constant 0 : i32
    %parallel_loop3A_118 = arith.constant 128 : i32
    %parallel_loop3A_119 = arith.constant 1 : i32
    "tpu.trace_stop"() : () -> ()
    "tpu.trace_start"() <{level = 10 : i32, message = "ph_mul3"}> : () -> ()
    scf.for %parallel_loop3A_134 = %parallel_loop3A_117 to %parallel_loop3A_118 step %parallel_loop3A_119  : i32 {
      %parallel_loop3A_135 = arith.index_cast %parallel_loop3A_134 : i32 to index
      %parallel_loop3A_136 = arith.constant 0 : index
      %parallel_loop3A_137 = tpu.vector_load %arg9[%parallel_loop3A_135, %parallel_loop3A_136] {strides = array<i32>} : memref<128x128xf32, #tpu.memory_space<vmem>>, vector<1x16xf32>,
      %parallel_loop3A_138 = vector.shape_cast %parallel_loop3A_137 : vector<1x16xf32> to vector<16xf32>
      %parallel_loop3A_139 = arith.index_cast %parallel_loop3A_134 : i32 to index
      %parallel_loop3A_140 = arith.constant 0 : index
      %parallel_loop3A_141 = tpu.vector_load %arg11[%parallel_loop3A_139, %parallel_loop3A_140] {strides = array<i32>} : memref<128x128xf32, #tpu.memory_space<vmem>>, vector<1x16xf32>,
      %parallel_loop3A_142 = vector.shape_cast %parallel_loop3A_141 : vector<1x16xf32> to vector<16xf32>
      %parallel_loop3A_143 = arith.mulf %parallel_loop3A_138, %parallel_loop3A_142 : vector<16xf32>
      %parallel_loop3A_144 = arith.index_cast %parallel_loop3A_134 : i32 to index
      %parallel_loop3A_145 = arith.constant 0 : index
      %parallel_loop3A_146 = tpu.vector_load %arg9[%parallel_loop3A_144, %parallel_loop3A_145] {strides = array<i32>} : memref<128x128xf32, #tpu.memory_space<vmem>>, vector<1x16xf32>,
      %parallel_loop3A_147 = vector.shape_cast %parallel_loop3A_146 : vector<1x16xf32> to vector<16xf32>
      %parallel_loop3A_148 = vector.shape_cast %parallel_loop3A_143 : vector<16xf32> to vector<1x16xf32>
      tpu.vector_store %arg9[%parallel_loop3A_144, %parallel_loop3A_145], %parallel_loop3A_148 {strides = array<i32>} : memref<128x128xf32, #tpu.memory_space<vmem>>, vector<1x16xf32>,
      %parallel_loop3A_149 = arith.index_cast %parallel_loop3A_134 : i32 to index
      %parallel_loop3A_150 = arith.constant 16 : index
      %parallel_loop3A_151 = tpu.vector_load %arg9[%parallel_loop3A_149, %parallel_loop3A_150] {strides = array<i32>} : memref<128x128xf32, #tpu.memory_space<vmem>>, vector<1x16xf32>,
      %parallel_loop3A_152 = vector.shape_cast %parallel_loop3A_151 : vector<1x16xf32> to vector<16xf32>
      %parallel_loop3A_153 = arith.index_cast %parallel_loop3A_134 : i32 to index
      %parallel_loop3A_154 = arith.constant 16 : index
      %parallel_loop3A_155 = tpu.vector_load %arg11[%parallel_loop3A_153, %parallel_loop3A_154] {strides = array<i32>} : memref<128x128xf32, #tpu.memory_space<vmem>>, vector<1x16xf32>,
      %parallel_loop3A_156 = vector.shape_cast %parallel_loop3A_155 : vector<1x16xf32> to vector<16xf32>
      %parallel_loop3A_157 = arith.mulf %parallel_loop3A_152, %parallel_loop3A_156 : vector<16xf32>
      %parallel_loop3A_158 = arith.index_cast %parallel_loop3A_134 : i32 to index
      %parallel_loop3A_159 = arith.constant 16 : index
      %parallel_loop3A_160 = tpu.vector_load %arg9[%parallel_loop3A_158, %parallel_loop3A_159] {strides = array<i32>} : memref<128x128xf32, #tpu.memory_space<vmem>>, vector<1x16xf32>,
      %parallel_loop3A_161 = vector.shape_cast %parallel_loop3A_160 : vector<1x16xf32> to vector<16xf32>
      %parallel_loop3A_162 = vector.shape_cast %parallel_loop3A_157 : vector<16xf32> to vector<1x16xf32>
      tpu.vector_store %arg9[%parallel_loop3A_158, %parallel_loop3A_159], %parallel_loop3A_162 {strides = array<i32>} : memref<128x128xf32, #tpu.memory_space<vmem>>, vector<1x16xf32>,
      %parallel_loop3A_163 = arith.index_cast %parallel_loop3A_134 : i32 to index
      %parallel_loop3A_164 = arith.constant 32 : index
      %parallel_loop3A_165 = tpu.vector_load %arg9[%parallel_loop3A_163, %parallel_loop3A_164] {strides = array<i32>} : memref<128x128xf32, #tpu.memory_space<vmem>>, vector<1x16xf32>,
      %parallel_loop3A_166 = vector.shape_cast %parallel_loop3A_165 : vector<1x16xf32> to vector<16xf32>
      %parallel_loop3A_167 = arith.index_cast %parallel_loop3A_134 : i32 to index
      %parallel_loop3A_168 = arith.constant 32 : index
      %parallel_loop3A_169 = tpu.vector_load %arg11[%parallel_loop3A_167, %parallel_loop3A_168] {strides = array<i32>} : memref<128x128xf32, #tpu.memory_space<vmem>>, vector<1x16xf32>,
      %parallel_loop3A_170 = vector.shape_cast %parallel_loop3A_169 : vector<1x16xf32> to vector<16xf32>
      %parallel_loop3A_171 = arith.mulf %parallel_loop3A_166, %parallel_loop3A_170 : vector<16xf32>
      %parallel_loop3A_172 = arith.index_cast %parallel_loop3A_134 : i32 to index
      %parallel_loop3A_173 = arith.constant 32 : index
      %parallel_loop3A_174 = tpu.vector_load %arg9[%parallel_loop3A_172, %parallel_loop3A_173] {strides = array<i32>} : memref<128x128xf32, #tpu.memory_space<vmem>>, vector<1x16xf32>,
      %parallel_loop3A_175 = vector.shape_cast %parallel_loop3A_174 : vector<1x16xf32> to vector<16xf32>
      %parallel_loop3A_176 = vector.shape_cast %parallel_loop3A_171 : vector<16xf32> to vector<1x16xf32>
      tpu.vector_store %arg9[%parallel_loop3A_172, %parallel_loop3A_173], %parallel_loop3A_176 {strides = array<i32>} : memref<128x128xf32, #tpu.memory_space<vmem>>, vector<1x16xf32>,
      %parallel_loop3A_177 = arith.index_cast %parallel_loop3A_134 : i32 to index
      %parallel_loop3A_178 = arith.constant 48 : index
      %parallel_loop3A_179 = tpu.vector_load %arg9[%parallel_loop3A_177, %parallel_loop3A_178] {strides = array<i32>} : memref<128x128xf32, #tpu.memory_space<vmem>>, vector<1x16xf32>,
      %parallel_loop3A_180 = vector.shape_cast %parallel_loop3A_179 : vector<1x16xf32> to vector<16xf32>
      %parallel_loop3A_181 = arith.index_cast %parallel_loop3A_134 : i32 to index
      %parallel_loop3A_182 = arith.constant 48 : index
      %parallel_loop3A_183 = tpu.vector_load %arg11[%parallel_loop3A_181, %parallel_loop3A_182] {strides = array<i32>} : memref<128x128xf32, #tpu.memory_space<vmem>>, vector<1x16xf32>,
      %parallel_loop3A_184 = vector.shape_cast %parallel_loop3A_183 : vector<1x16xf32> to vector<16xf32>
      %parallel_loop3A_185 = arith.mulf %parallel_loop3A_180, %parallel_loop3A_184 : vector<16xf32>
      %parallel_loop3A_186 = arith.index_cast %parallel_loop3A_134 : i32 to index
      %parallel_loop3A_187 = arith.constant 48 : index
      %parallel_loop3A_188 = tpu.vector_load %arg9[%parallel_loop3A_186, %parallel_loop3A_187] {strides = array<i32>} : memref<128x128xf32, #tpu.memory_space<vmem>>, vector<1x16xf32>,
      %parallel_loop3A_189 = vector.shape_cast %parallel_loop3A_188 : vector<1x16xf32> to vector<16xf32>
      %parallel_loop3A_190 = vector.shape_cast %parallel_loop3A_185 : vector<16xf32> to vector<1x16xf32>
      tpu.vector_store %arg9[%parallel_loop3A_186, %parallel_loop3A_187], %parallel_loop3A_190 {strides = array<i32>} : memref<128x128xf32, #tpu.memory_space<vmem>>, vector<1x16xf32>,
      %parallel_loop3A_191 = arith.index_cast %parallel_loop3A_134 : i32 to index
      %parallel_loop3A_192 = arith.constant 64 : index
      %parallel_loop3A_193 = tpu.vector_load %arg9[%parallel_loop3A_191, %parallel_loop3A_192] {strides = array<i32>} : memref<128x128xf32, #tpu.memory_space<vmem>>, vector<1x16xf32>,
      %parallel_loop3A_194 = vector.shape_cast %parallel_loop3A_193 : vector<1x16xf32> to vector<16xf32>
      %parallel_loop3A_195 = arith.index_cast %parallel_loop3A_134 : i32 to index
      %parallel_loop3A_196 = arith.constant 64 : index
      %parallel_loop3A_197 = tpu.vector_load %arg11[%parallel_loop3A_195, %parallel_loop3A_196] {strides = array<i32>} : memref<128x128xf32, #tpu.memory_space<vmem>>, vector<1x16xf32>,
      %parallel_loop3A_198 = vector.shape_cast %parallel_loop3A_197 : vector<1x16xf32> to vector<16xf32>
      %parallel_loop3A_199 = arith.mulf %parallel_loop3A_194, %parallel_loop3A_198 : vector<16xf32>
      %parallel_loop3A_200 = arith.index_cast %parallel_loop3A_134 : i32 to index
      %parallel_loop3A_201 = arith.constant 64 : index
      %parallel_loop3A_202 = tpu.vector_load %arg9[%parallel_loop3A_200, %parallel_loop3A_201] {strides = array<i32>} : memref<128x128xf32, #tpu.memory_space<vmem>>, vector<1x16xf32>,
      %parallel_loop3A_203 = vector.shape_cast %parallel_loop3A_202 : vector<1x16xf32> to vector<16xf32>
      %parallel_loop3A_204 = vector.shape_cast %parallel_loop3A_199 : vector<16xf32> to vector<1x16xf32>
      tpu.vector_store %arg9[%parallel_loop3A_200, %parallel_loop3A_201], %parallel_loop3A_204 {strides = array<i32>} : memref<128x128xf32, #tpu.memory_space<vmem>>, vector<1x16xf32>,
      %parallel_loop3A_205 = arith.index_cast %parallel_loop3A_134 : i32 to index
      %parallel_loop3A_206 = arith.constant 80 : index
      %parallel_loop3A_207 = tpu.vector_load %arg9[%parallel_loop3A_205, %parallel_loop3A_206] {strides = array<i32>} : memref<128x128xf32, #tpu.memory_space<vmem>>, vector<1x16xf32>,
      %parallel_loop3A_208 = vector.shape_cast %parallel_loop3A_207 : vector<1x16xf32> to vector<16xf32>
      %parallel_loop3A_209 = arith.index_cast %parallel_loop3A_134 : i32 to index
      %parallel_loop3A_210 = arith.constant 80 : index
      %parallel_loop3A_211 = tpu.vector_load %arg11[%parallel_loop3A_209, %parallel_loop3A_210] {strides = array<i32>} : memref<128x128xf32, #tpu.memory_space<vmem>>, vector<1x16xf32>,
      %parallel_loop3A_212 = vector.shape_cast %parallel_loop3A_211 : vector<1x16xf32> to vector<16xf32>
      %parallel_loop3A_213 = arith.mulf %parallel_loop3A_208, %parallel_loop3A_212 : vector<16xf32>
      %parallel_loop3A_214 = arith.index_cast %parallel_loop3A_134 : i32 to index
      %parallel_loop3A_215 = arith.constant 80 : index
      %parallel_loop3A_216 = tpu.vector_load %arg9[%parallel_loop3A_214, %parallel_loop3A_215] {strides = array<i32>} : memref<128x128xf32, #tpu.memory_space<vmem>>, vector<1x16xf32>,
      %parallel_loop3A_217 = vector.shape_cast %parallel_loop3A_216 : vector<1x16xf32> to vector<16xf32>
      %parallel_loop3A_218 = vector.shape_cast %parallel_loop3A_213 : vector<16xf32> to vector<1x16xf32>
      tpu.vector_store %arg9[%parallel_loop3A_214, %parallel_loop3A_215], %parallel_loop3A_218 {strides = array<i32>} : memref<128x128xf32, #tpu.memory_space<vmem>>, vector<1x16xf32>,
      %parallel_loop3A_219 = arith.index_cast %parallel_loop3A_134 : i32 to index
      %parallel_loop3A_220 = arith.constant 96 : index
      %parallel_loop3A_221 = tpu.vector_load %arg9[%parallel_loop3A_219, %parallel_loop3A_220] {strides = array<i32>} : memref<128x128xf32, #tpu.memory_space<vmem>>, vector<1x16xf32>,
      %parallel_loop3A_222 = vector.shape_cast %parallel_loop3A_221 : vector<1x16xf32> to vector<16xf32>
      %parallel_loop3A_223 = arith.index_cast %parallel_loop3A_134 : i32 to index
      %parallel_loop3A_224 = arith.constant 96 : index
      %parallel_loop3A_225 = tpu.vector_load %arg11[%parallel_loop3A_223, %parallel_loop3A_224] {strides = array<i32>} : memref<128x128xf32, #tpu.memory_space<vmem>>, vector<1x16xf32>,
      %parallel_loop3A_226 = vector.shape_cast %parallel_loop3A_225 : vector<1x16xf32> to vector<16xf32>
      %parallel_loop3A_227 = arith.mulf %parallel_loop3A_222, %parallel_loop3A_226 : vector<16xf32>
      %parallel_loop3A_228 = arith.index_cast %parallel_loop3A_134 : i32 to index
      %parallel_loop3A_229 = arith.constant 96 : index
      %parallel_loop3A_230 = tpu.vector_load %arg9[%parallel_loop3A_228, %parallel_loop3A_229] {strides = array<i32>} : memref<128x128xf32, #tpu.memory_space<vmem>>, vector<1x16xf32>,
      %parallel_loop3A_231 = vector.shape_cast %parallel_loop3A_230 : vector<1x16xf32> to vector<16xf32>
      %parallel_loop3A_232 = vector.shape_cast %parallel_loop3A_227 : vector<16xf32> to vector<1x16xf32>
      tpu.vector_store %arg9[%parallel_loop3A_228, %parallel_loop3A_229], %parallel_loop3A_232 {strides = array<i32>} : memref<128x128xf32, #tpu.memory_space<vmem>>, vector<1x16xf32>,
      %parallel_loop3A_233 = arith.index_cast %parallel_loop3A_134 : i32 to index
      %parallel_loop3A_234 = arith.constant 112 : index
      %parallel_loop3A_235 = tpu.vector_load %arg9[%parallel_loop3A_233, %parallel_loop3A_234] {strides = array<i32>} : memref<128x128xf32, #tpu.memory_space<vmem>>, vector<1x16xf32>,
      %parallel_loop3A_236 = vector.shape_cast %parallel_loop3A_235 : vector<1x16xf32> to vector<16xf32>
      %parallel_loop3A_237 = arith.index_cast %parallel_loop3A_134 : i32 to index
      %parallel_loop3A_238 = arith.constant 112 : index
      %parallel_loop3A_239 = tpu.vector_load %arg11[%parallel_loop3A_237, %parallel_loop3A_238] {strides = array<i32>} : memref<128x128xf32, #tpu.memory_space<vmem>>, vector<1x16xf32>,
      %parallel_loop3A_240 = vector.shape_cast %parallel_loop3A_239 : vector<1x16xf32> to vector<16xf32>
      %parallel_loop3A_241 = arith.mulf %parallel_loop3A_236, %parallel_loop3A_240 : vector<16xf32>
      %parallel_loop3A_242 = arith.index_cast %parallel_loop3A_134 : i32 to index
      %parallel_loop3A_243 = arith.constant 112 : index
      %parallel_loop3A_244 = tpu.vector_load %arg9[%parallel_loop3A_242, %parallel_loop3A_243] {strides = array<i32>} : memref<128x128xf32, #tpu.memory_space<vmem>>, vector<1x16xf32>,
      %parallel_loop3A_245 = vector.shape_cast %parallel_loop3A_244 : vector<1x16xf32> to vector<16xf32>
      %parallel_loop3A_246 = vector.shape_cast %parallel_loop3A_241 : vector<16xf32> to vector<1x16xf32>
      tpu.vector_store %arg9[%parallel_loop3A_242, %parallel_loop3A_243], %parallel_loop3A_246 {strides = array<i32>} : memref<128x128xf32, #tpu.memory_space<vmem>>, vector<1x16xf32>,
    } {sc.loop_unroll_factor = 8 : i64, sc.parallel_access}
    "tpu.trace_stop"() : () -> ()
    %add3A_120 = arith.constant 384 : i32
    %add3A_121 = arith.addi %mul3A_2, %add3A_120 : i32
    %dma_start3A_122 = arith.constant 0 : i32
    %dma_start3A_123 = tpu.memref_slice %arg5[%add3A_121, %dma_start3A_122] : memref<16384x128xf32, #tpu.memory_space<hbm>> -> memref<128x128xf32, #tpu.memory_space<hbm>>
    %dma_start3A_124 = arith.constant 0 : i32
    %dma_start3A_125 = tpu.memref_slice %arg5[%add3A_121, %dma_start3A_124] : memref<16384x128xf32, #tpu.memory_space<hbm>> -> memref<128x128xf32, #tpu.memory_space<hbm>>
    tpu.enqueue_dma source(%arg9 : memref<128x128xf32, #tpu.memory_space<vmem>>) target(%dma_start3A_125 : memref<128x128xf32, #tpu.memory_space<hbm>>) target_semaphore(%arg17 : memref<!tpu.dma_semaphore, #tpu.memory_space<semaphore_mem>>)
    "tpu.trace_start"() <{level = 10 : i32, message = "ph_tail"}> : () -> ()
    %dma_wait3A_126 = arith.constant 0 : i32
    %dma_wait3A_127 = tpu.memref_slice %arg5[%add3A_103, %dma_wait3A_126] : memref<16384x128xf32, #tpu.memory_space<hbm>> -> memref<128x128xf32, #tpu.memory_space<hbm>>
    %dma_wait3A_128 = arith.constant 0 : i32
    %dma_wait3A_129 = tpu.memref_slice %arg5[%add3A_103, %dma_wait3A_128] : memref<16384x128xf32, #tpu.memory_space<hbm>> -> memref<128x128xf32, #tpu.memory_space<hbm>>
    tpu.wait_dma2 semaphore(%arg16 : memref<!tpu.dma_semaphore, #tpu.memory_space<semaphore_mem>>) src(%arg8 : memref<128x128xf32, #tpu.memory_space<vmem>>) dst(%dma_wait3A_129 : memref<128x128xf32, #tpu.memory_space<hbm>>)
    %dma_wait3A_130 = arith.constant 0 : i32
    %dma_wait3A_131 = tpu.memref_slice %arg5[%add3A_121, %dma_wait3A_130] : memref<16384x128xf32, #tpu.memory_space<hbm>> -> memref<128x128xf32, #tpu.memory_space<hbm>>
    %dma_wait3A_132 = arith.constant 0 : i32
    %dma_wait3A_133 = tpu.memref_slice %arg5[%add3A_121, %dma_wait3A_132] : memref<16384x128xf32, #tpu.memory_space<hbm>> -> memref<128x128xf32, #tpu.memory_space<hbm>>
    tpu.wait_dma2 semaphore(%arg17 : memref<!tpu.dma_semaphore, #tpu.memory_space<semaphore_mem>>) src(%arg9 : memref<128x128xf32, #tpu.memory_space<vmem>>) dst(%dma_wait3A_133 : memref<128x128xf32, #tpu.memory_space<hbm>>)
    "tpu.trace_stop"() : () -> ()
    return
  }
}

</mosaic_0001>

<sc_bundles>
// kernel: _run.3.cloned.1.call-start
scs
__scs_entry_jumppad:
0x0: {  	(pc) =	sbr.rel $0x88, $3  }
0x1: {  	(tag) =	ssettag $0x0;
	lr =	simm.s32 $0x1  }
0x2: {  	[smem:$0x3F9E] =	sst lr;
	_ =	strace $0xD0000000  }
0x3: {  	_ = 	snop  }
0x4: {  	_ = 	snop  }
0x5: {  	_ = 	snop  }
0x6: {  	_ = 	snop  }
0x7: {  	_ = 	snop  }
__scs_overlays_trampoline_lowered:
0x8: {  	[smem:$0x3FAD] =	sst s0  }
0x9: {  	[smem:$0x3FAE] =	sst s1  }
0xa: {  	[smem:$0x3FAF] =	sst s2  }
0xb: {  	[smem:$0x3FB0] =	sst s3  }
0xc: {  	[smem:$0x3FB1] =	sst s4  }
0xd: {  	[smem:$0x3FB2] =	sst s5  }
0xe: {  	[smem:$0x3FB3] =	sst s6  }
0xf: {  	[smem:$0x3FB4] =	sst s7  }
0x10: {  	[smem:$0x3FB5] =	sst s8  }
0x11: {  	[smem:$0x3FB6] =	sst s9;
	s0 =	simm.s32 @!p0 $0x0  }
0x12: {  	s1 =	sld [smem:$0x3F9C];
	s0 =	simm.s32 @p0 $0x1  }
0x13: {  	[smem:$0x3FB7] =	sst s0;
	s0 =	simm.s32 @!p1 $0x0  }
0x14: {  	s2 =	sld [smem:$0x3F9B];
	s0 =	simm.s32 @p1 $0x1  }
0x15: {  	[smem:$0x3FB8] =	sst s0;
	s0 =	simm.s32 @!p2 $0x0  }
0x16: {  	s3 =	sld [smem:$0x3FDB];
	s0 =	simm.s32 @p2 $0x1  }
0x17: {  	s4 =	simm.s32 $0x1BF5;
	[smem:$0x3FBA] =	sst s0  }
0x18: {  	s0 =	sld [smem:$0x3F9D];
	_ =	swait.ge [sflag:s4], $0x0  }
0x19: {  	s7 =	sld [smem:$0x3F9E]  }
0x1a: {  	s8 =	sadd.s32 $0xFFFFE003, lr  }
0x1b: {  	s9 =	sadd.s32 $0xFFFFFEF7, lr;
	s5 =	simm.s32 $0xFFFFFFFF;
	p2 =	slt.u32 s8, $0xFFFFF086  }
0x1c: {  	p1 =	slt.u32 s9, $0xF7A;
	s5 =	simm.s32 @!p2 $0x0  }
0x1d: {  	s5 =	simm.s32 @p1 $0x1;
	p0 =	seq.s32 s7, s2  }
0x1e: {  	s7 =	smul.u32 @!p0 $0xF7A, s2;
	p2 =	seq.s32 @!p0 s5, $0x0  }
0x1f: {  	s9 =	smul.u32 $0xF7A, s1;
	s8 =	simm.s32 @!p0 $0x1BF5;
	p2 =	por !p2, p0  }
0x20: {  	[sflag:s8] =	ssyncset.s32 @!p0 $0xFFFFF086;
	s6 =	sadd.s32 @!p0 s3, s7;
	s7 =	simm.s32 @!p0 $0x108  }
0x21: {  	s3 =	sadd.s32 s3, s9;
	s6 =	sadd.s32 @!p0 $0x88, s6;
	s7 =	simm.s32 @p2 $0x1082  }
0x22: {  	[simem:s7], [sflag:s8] =	dma.local @!p0 [hbm:s6], $0xF7A  }
0x23: {  	s9 =	sor.u32 $0xD0000000, s2;
	s6 =	simm.s32 $0x108;
	_ =	swait.ge @!p0 [sflag:s8], $0x0  }
0x24: {  	s3 =	sadd.s32 $0x88, s3;
	s6 =	simm.s32 @!p1 $0x1082;
	[sflag:s4] =	ssyncset.s32 $0xFFFFF086  }
0x25: {  	[simem:s6], [sflag:s4] =	dma.local [hbm:s3], $0xF7A  }
0x26: {  	[smem:$0x3F9E] =	sst s1;
	(tag) =	ssettag s2;
	_ =	strace s9  }
0x27: {  	s1 =	sld [smem:$0x3FAE]  }
0x28: {  	s2 =	sld [smem:$0x3FAF]  }
0x29: {  	s4 =	sld [smem:$0x3FB1]  }
0x2a: {  	p0 =	seq.s32 s5, $0x0;
	s5 =	sld [smem:$0x3FB2]  }
0x2b: {  	s6 =	sld [smem:$0x3FB3]  }
0x2c: {  	s7 =	sld [smem:$0x3FB4]  }
0x2d: {  	s3 =	simm.s32 $0x108;
	s8 =	sld [smem:$0x3FB5]  }
0x2e: {  	s3 =	simm.s32 @!p0 $0x1082;
	s9 =	sld [smem:$0x3FB6]  }
0x2f: {  	lr =	sadd.s32 s0, s3;
	s0 =	sld [smem:$0x3FAD]  }
0x30: {  	s3 =	sld [smem:$0x3FB0]  }
0x31: {  	[smem:$0x3FB9] =	sst s10  }
0x32: {  	s10 =	sld [smem:$0x3FB7];
	_ =	sdelay $0x3  }
0x33: {  	p0 =	seq.s32 s10, $0x1;
	s10 =	sld [smem:$0x3FB9];
	_ =	sdelay $0x3  }
0x34: {  	[smem:$0x3FB9] =	sst s10  }
0x35: {  	s10 =	sld [smem:$0x3FB8];
	_ =	sdelay $0x3  }
0x36: {  	p1 =	seq.s32 s10, $0x1;
	s10 =	sld [smem:$0x3FB9];
	_ =	sdelay $0x3  }
0x37: {  	[smem:$0x3FB9] =	sst s10  }
0x38: {  	s10 =	sld [smem:$0x3FBA]  }
0x39: {  	_ = 	snop;
	(pc) =	sbr.ind lr, $3  }
0x3a: {  	_ = 	snop  }
0x3b: {  	_ = 	snop  }
0x3c: {  	p2 =	seq.s32 s10, $0x1;
	s10 =	sld [smem:$0x3FB9]  }
0x3d: {  	_ =	shalt  }
0x3e: {  	_ =	shalt  }
0x3f: {  	_ =	shalt  }
0x40: {  	_ =	shalt  }
0x41: {  	_ =	shalt  }
0x42: {  	_ =	shalt  }
0x43: {  	_ =	shalt  }
0x44: {  	_ =	shalt  }
0x45: {  	_ =	shalt  }
0x46: {  	_ =	shalt  }
0x47: {  	_ =	shalt  }
0x48: {  	_ =	shalt  }
0x49: {  	_ =	shalt  }
0x4a: {  	_ =	shalt  }
0x4b: {  	_ =	shalt  }
0x4c: {  	_ =	shalt  }
0x4d: {  	_ =	shalt  }
0x4e: {  	_ =	shalt  }
0x4f: {  	_ =	shalt  }
0x50: {  	_ =	shalt  }
0x51: {  	_ =	shalt  }
0x52: {  	_ =	shalt  }
0x53: {  	_ =	shalt  }
0x54: {  	_ =	shalt  }
0x55: {  	_ =	shalt  }
0x56: {  	_ =	shalt  }
0x57: {  	_ =	shalt  }
0x58: {  	_ =	shalt  }
0x59: {  	_ =	shalt  }
0x5a: {  	_ =	shalt  }
0x5b: {  	_ =	shalt  }
0x5c: {  	_ =	shalt  }
0x5d: {  	_ =	shalt  }
0x5e: {  	_ =	shalt  }
0x5f: {  	_ =	shalt  }
0x60: {  	_ =	shalt  }
0x61: {  	_ =	shalt  }
0x62: {  	_ =	shalt  }
0x63: {  	_ =	shalt  }
0x64: {  	_ =	shalt  }
0x65: {  	_ =	shalt  }
0x66: {  	_ =	shalt  }
0x67: {  	_ =	shalt  }
0x68: {  	_ =	shalt  }
0x69: {  	_ =	shalt  }
0x6a: {  	_ =	shalt  }
0x6b: {  	_ =	shalt  }
0x6c: {  	_ =	shalt  }
0x6d: {  	_ =	shalt  }
0x6e: {  	_ =	shalt  }
0x6f: {  	_ =	shalt  }
0x70: {  	_ =	shalt  }
0x71: {  	_ =	shalt  }
0x72: {  	_ =	shalt  }
0x73: {  	_ =	shalt  }
0x74: {  	_ =	shalt  }
0x75: {  	_ =	shalt  }
0x76: {  	_ =	shalt  }
0x77: {  	_ =	shalt  }
0x78: {  	_ =	shalt  }
0x79: {  	_ =	shalt  }
0x7a: {  	_ =	shalt  }
0x7b: {  	_ =	shalt  }
0x7c: {  	_ =	shalt  }
0x7d: {  	_ =	shalt  }
0x7e: {  	_ =	shalt  }
0x7f: {  	_ =	shalt  }
0x80: {  	_ =	shalt  }
0x81: {  	_ =	shalt  }
0x82: {  	_ =	shalt  }
0x83: {  	_ =	shalt  }
0x84: {  	_ =	shalt  }
0x85: {  	_ =	shalt  }
0x86: {  	_ =	shalt  }
0x87: {  	_ =	shalt  }
.Lfunc_end0:
.L_simem_size_0:
called_computation_lowered:
.L_overlay_start_0:
0x88: {  	s2 =	sld [smem:$0x3FD9]  }
0x89: {  	s3 =	sld [smem:$0x3FFE];
	_ =	sdelay $0x1  }
0x8a: {  	s1 =	srdreg.scid  }
0x8b: {  	s0 =	sand.u32 $0x1, s1  }
0x8c: {  	s18 =	sshll.u32 s0, $0xA;
	s2 =	sadd.s32 s3, s2  }
0x8d: {  	s2 =	sadd.s32 s2, s18  }
0x8e: {  	[smem:$0x3FC5] =	sst s2  }
0x8f: {  	_ = 	snop  }
0x90: {  	s2 =	sld [smem:$0x3FC9]  }
0x91: {  	s19 =	sld [smem:$0x3FC8]  }
0x92: {  	s4 =	sld [smem:$0x3FC7]  }
0x93: {  	s5 =	sld [smem:$0x3FD0];
	(tm) =	ssettm $0x1  }
0x94: {  	s6 =	sld [smem:$0x3FFB];
	_ =	sdelay $0x3  }
0x95: {  	_ =	strace s6  }
0x96: {  	s6 =	sld [smem:$0x3FFC];
	_ =	sdelay $0x3  }
0x97: {  	_ =	strace s6  }
0x98: {  	s6 =	sld [smem:$0x3FFD];
	_ =	sdelay $0x3  }
0x99: {  	_ =	strace s6  }
0x9a: {  	_ =	strace $0x8FFFFFFF  }
0x9b: {  	s20 =	sld [smem:$0x3FDB];
	_ =	sdelay $0x1  }
0x9c: {  	s7 =	simm.s32 $_scs_section_size  }
0x9d: {  	s8 =	simm.s32 $_size__tile_overlayer_lowered;
	s9 =	simm.s32 $_tile_overlayer_lowered  }
0x9e: {  	s23 =	simm.s32 $0x1BFF;
	s22 =	sshll.u32 s9, $0x1;
	s6 =	sadd.s32 s7, s20  }
0x9f: {  	s10 =	simm.s32 $0x0;
	s21 =	sshll.u32 s8, $0x1;
	s8 =	sadd.s32 s22, s6  }
0xa0: {  	[timem:s10], [sflag:s23] =	dma.local [hbm:s8], s21  }
0xa1: {  	_ =	swait.ge [sflag:s23], s21  }
0xa2: {  	s7 =	ssub.s32 $0x0, s21;
	[sflag:s23] =	ssyncset.done $0x0  }
0xa3: {  	[sflag:s23] =	ssyncadd.s32 s7;
	_ =	sdelay $0x1  }
0xa4: {  	s24 =	simm.s32 $0x1B8B  }
0xa5: {  	_ =	swait.ge [sflag:s24], $0x1  }
0xa6: {  	[sflag:s24] =	ssyncset.done $0x0  }
0xa7: {  	s25 =	simm.s32 $0x1B8E;
	[sflag:s24] =	ssyncadd.s32 $0xFFFFFFFF  }
0xa8: {  	s26 =	simm.s32 $execute0_lowered;
	[smem:$0x3FD2] =	sst s25  }
0xa9: {  	s7 =	sshll.u32 s26, $0x1;
	_ =	strace $0x80000046;
	[dreg:$0x1] =	wrdreg $0xFFFFFFFF  }
0xaa: {  	s28 =	simm.s32 $_size_execute0_lowered;
	s6 =	sadd.s32 s6, s7;
	[dreg:$0x0] =	wrdreg $0x0  }
0xab: {  	s7 =	sshll.u32 s28, $0x1;
	[dreg:$0x2] =	wrdreg s6  }
0xac: {  	[dreg:$0x3] =	wrdreg s7  }
0xad: {  	[dreg:$0x4] =	wrdreg $0xC0  }
0xae: {  	_ =	task [dreg:s10], $0x5FFFF  }
0xaf: {  	[dreg:$0x1] =	wrdreg $0xFFFFFFFF  }
0xb0: {  	[dreg:$0x0] =	wrdreg $0x60  }
0xb1: {  	[dreg:$0x2] =	wrdreg s2  }
0xb2: {  	[dreg:$0x3] =	wrdreg s19  }
0xb3: {  	[dreg:$0x4] =	wrdreg s4  }
0xb4: {  	[dreg:$0x5] =	wrdreg s5  }
0xb5: {  	[dreg:$0x6] =	wrdreg $0x2000  }
0xb6: {  	[dreg:$0x7] =	wrdreg $0x9  }
0xb7: {  	_ =	task.clear_ibuf [dreg:s10], $0x8FFFF;
	_ =	strace $0x90000046  }
0xb8: {  	s29 =	simm.s32 $0x9;
	_ =	strace $0x80000059  }
0xb9: {  	_ =	swait.ge [sflag:s29], $0x1  }
0xba: {  	[sflag:s29] =	ssyncadd.s32 $0xFFFFFFFF  }
0xbb: {  	_ =	strace $0x90000059  }
0xbc: {  	_ =	sfence  }
0xbd: {  	s30 =	sld [smem:$0x0];
	_ =	sdelay $0x2  }
0xbe: {  	s31 =	sshll.u32 s1, $0xD;
	s1 =	sshrl.u32 s1, $0x2  }
0xbf: {  	s3 =	sand.u32 $0x4000, s31;
	s1 =	sadd.s32 s1, s30  }
0xc0: {  	s0 =	sor.u32 s3, s0;
	s1 =	sshll.u32 s1, $0x11  }
0xc1: {  	s0 =	sor.u32 s1, s0  }
0xc2: {  	s0 =	sadd.s32 $0x8F2B, s0  }
0xc3: {  	[sflag:s0] =	ssyncadd.remote.s32 $0x1  }
0xc4: {  	_ =	sfence.sel $0xFFFF  }
0xc5: {  	[dreg:$0x0] =	wrdreg $0xFFFFFFFF;
	(pc) =	sbr.abs _section_cstart, $3  }
0xc6: {  	[dreg:$0x1] =	wrdreg $0xFFFFFFFF  }
0xc7: {  	_ =	task.clear_ibuf [dreg:s10], $0x2FFFF;
	_ =	strace $0x9FFFFFFF  }
0xc8: {  	(tm) =	ssettm $0x7FFFFFFF  }
0xc9: {  	_ =	shalt  }
tec
execute0_lowered:
.L_overlay_start_1:
0x0: {  	(tag) =	ssettag $0x1  }
0x1: {  	s11 =	rddreg [dreg:$0x0]  }
0x2: {  	s0 =	rddreg [dreg:$0x1]  }
0x3: {  	s1 =	rddreg [dreg:$0x2]  }
0x4: {  	s2 =	rddreg [dreg:$0x3]  }
0x5: {  	s3 =	rddreg [dreg:$0x4];
	s5 =	srdreg.scid  }
0x6: {  	s4 =	simm.s32 $0x0;
	s17 =	stileid.u32;
	s19 =	simm.s32 $0x80  }
0x7: {  	s20 =	simm.s32 $0x2140;
	s22 =	simm.s32 $0x6140;
	s23 =	simm.s32 $0xE140  }
0x8: {  	s29 =	simm.s32 $0x2;
	s30 =	simm.s32 $0x4;
	s31 =	simm.s32 $0x6  }
0x9: {  	s28 =	simm.s32 $0x0;
	s5 =	sand.u32 $0x1, s5;
	s24 =	smul.u32 $0x19000, s17  }
0xa: {  	s7 =	sshll.u32 s17, $0xA;
	[smem:$0x7FF] =	sst s4;
	s10 =	smul.u32 $0xC80, s17  }
0xb: {  	p0 =	sgt.u32 s17, $0x4;
	s17 =	simm.s32 $0x7;
	s6 =	ssub.s32 $0x2, s5  }
0xc: {  	s5 =	sshll.u32 s5, $0x9;
	_ =	strace $0x80000047;
	s8 =	sshrl.u32 s6, $0x1  }
0xd: {  	s7 =	sor.u32 s5, s7;
	s26 =	sshrl.u32 s24, $0x2;
	s24 =	simm.s32 $0x1  }
0xe: {  	s16 =	ssub.s32 s6, s8;
	s5 =	sshrl.u32 s7, $0x3;
	s9 =	sor.u32 $0x80, s7  }
0xf: {  	s13 =	sshll.u32 s7, $0x4;
	s8 =	sadd.s32 s11, s10;
	s5 =	sadd.s32 s0, s5  }
0x10: {  	s25 =	sshrl.u32 s9, $0x3;
	s6 =	sadd.s32 s1, s13;
	s12 =	sshll.u32 s9, $0x4  }
0x11: {  	s10 =	sadd.s32 s2, s13;
	s14 =	sor.u32 $0x1000, s13;
	s15 =	sor.u32 $0x1800, s13  }
0x12: {  	s16 =	smax.u32 s16, $0x1;
	s7 =	sadd.s32 s0, s25;
	s0 =	sadd.s32 s26, s3  }
0x13: {  	s9 =	sadd.s32 s1, s12;
	s11 =	sadd.s32 s1, s14;
	s12 =	sadd.s32 s2, s12  }
0x14: {  	s13 =	sadd.s32 s1, s15;
	s14 =	sadd.s32 s2, s14;
	s15 =	sadd.s32 s2, s15  }
0x15: {  	s25 =	simm.s32 $0x3;
	s26 =	simm.s32 $0x5;
	s21 =	sshrl.u32 @!p0 s0, $0x3  }
.LBB2_1:
0x16: {  	_ =	strace $0x80000048  }
0x17: {  	[tilespmem:s4], [sflag:$0x7] =	stream.linear.gather [hbm4b:s5+s4], $0x80, $0x200038;
	[tilespmem:$0x12140] =	vst v63  }
0x18: {  	_ =	swait.ge [sflag:s17], $0x80  }
0x19: {  	[sflag:s17] =	ssyncset.done $0x0  }
0x1a: {  	[sflag:s17] =	ssyncadd.s32 $0xFFFFFF80  }
0x1b: {  	s0 =	simm.s32 $0xA140;
	_ =	strace $0x90000048  }
0x1c: {  	[tilespmem:s0], [sflag:$0x3] =	stream.linear.gather [hbm4b:s6+s4], $0x4000, $0x38;
	[tilespmem:$0x12140] =	vst v63  }
0x1d: {  	s18 =	rddreg [dreg:$0x0]  }
0x1e: {  	[tilespmem:s20], [sflag:$0x1] =	stream.indirect.gather [hbm4b:s18+s19], $0x80, s4, s19, $0xb8;
	[tilespmem:$0x12140] =	vst v63  }
0x1f: {  	_ =	strace $0x80000049  }
0x20: {  	[tilespmem:s19], [sflag:$0x7] =	stream.linear.gather [hbm4b:s7+s4], $0x180, $0x200038;
	[tilespmem:$0x12140] =	vst v63  }
0x21: {  	_ =	swait.ge [sflag:s17], $0x180  }
0x22: {  	[sflag:s17] =	ssyncset.done $0x0  }
0x23: {  	s0 =	stileid.u32;
	[sflag:s17] =	ssyncadd.s32 $0xFFFFFE80  }
0x24: {  	s0 =	sshll.u32 @!p0 s0, $0x6;
	_ =	strace $0x90000049  }
0x25: {  	s0 =	sor.u32 @!p0 $0x1C07, s0;
	_ =	strace $0x8000004A  }
0x26: {  	[spmem:s21], [sflag:s0] =	dma.local @!p0 [hbm:s8], $0xC80  }
0x27: {  	s0 =	simm.s32 @!p0 $0x7  }
0x28: {  	_ =	swait.ge @!p0 [sflag:s0], $0xC80  }
0x29: {  	[sflag:s0] =	ssyncset.done @!p0 $0x0  }
0x2a: {  	[sflag:s0] =	ssyncadd.s32 @!p0 $0xFFFFF380  }
0x2b: {  	_ =	strace $0x9000004A  }
0x2c: {  	_ =	strace $0x8000004B  }
0x2d: {  	[bflag:$0x0] =	sbarrier.arrive $0xFFFF  }
0x2e: {  	_ =	strace $0x9000004B  }
0x2f: {  	[tilespmem:s22], [sflag:$0x2] =	stream.indirect.gather [spmem:s3], $0x80, s19, s19, $0xb8;
	[tilespmem:$0x12140] =	vst v63  }
0x30: {  	_ = 	snop  }
0x31: {  	[tilespmem:s23], [sflag:$0x4] =	stream.linear.gather [hbm4b:s9+s4], $0x4000, $0x38;
	[tilespmem:$0x12140] =	vst v63  }
0x32: {  	_ =	strace $0x8000004C  }
0x33: {  	_ =	swait.ge [sflag:s24], $0x4000  }
0x34: {  	[sflag:s24] =	ssyncset.done $0x0  }
0x35: {  	[sflag:s24] =	ssyncadd.s32 $0xFFFFC000  }
0x36: {  	_ =	strace $0x9000004C  }
0x37: {  	_ =	strace $0x8000004D  }
0x38: {  	_ =	swait.ge [sflag:s25], $0x4000  }
0x39: {  	[sflag:s25] =	ssyncset.done $0x0  }
0x3a: {  	[sflag:s25] =	ssyncadd.s32 $0xFFFFC000  }
0x3b: {  	_ =	strace $0x9000004D  }
0x3c: {  	s0 =	simm.s32 $0x2340;
	_ =	strace $0x8000004E  }
0x3d: {  	s1 =	simm.s32 $0xA340;
	v0 =	vld [tilespmem:s0+$0x180]  }
0x3e: {  	v1 =	vld [tilespmem:s1+$0x180]  }
0x3f: {  	v2 =	vld [tilespmem:s1+$0xFFFFFE00]  }
0x40: {  	v3 =	vld [tilespmem:s0+$0xFFFFFE80]  }
0x41: {  	v4 =	vld [tilespmem:s1+$0xFFFFFE80]  }
0x42: {  	v5 =	vld [tilespmem:s0+$0xFFFFFF00]  }
0x43: {  	v6 =	vld [tilespmem:s1+$0xFFFFFF00]  }
0x44: {  	v7 =	vld [tilespmem:s1+$0xFFFFFF80]  }
0x45: {  	v9 =	vld [tilespmem:s0+$0x0]  }
0x46: {  	v10 =	vld [tilespmem:s1+$0x0]  }
0x47: {  	v11 =	vld [tilespmem:s0+$0x80]  }
0x48: {  	v12 =	vld [tilespmem:s1+$0x80]  }
0x49: {  	v13 =	vld [tilespmem:s0+$0x100]  }
0x4a: {  	v50 =	vld [tilespmem:s0+$0xFFFFFF90]  }
0x4b: {  	v51 =	vld [tilespmem:s0+$0x10]  }
0x4c: {  	v52 =	vld [tilespmem:s0+$0xFFFFFFA0]  }
0x4d: {  	v53 =	vld [tilespmem:s0+$0x20]  }
0x4e: {  	v14 =	vld [tilespmem:s0+$0xA0];
	v0 =	vmul.f32 v1, v0  }
0x4f: {  	v54 =	vld [tilespmem:s0+$0xFFFFFFB0]  }
0x50: {  	[tilespmem:s0+$0x180] =	vst v0;
	v0 =	vld [tilespmem:s0+$0x190]  }
0x51: {  	v1 =	vld [tilespmem:s1+$0x190]  }
0x52: {  	v55 =	vld [tilespmem:s0+$0x30]  }
0x53: {  	v56 =	vld [tilespmem:s0+$0xFFFFFFC0]  }
0x54: {  	v57 =	vld [tilespmem:s0+$0xC0]  }
0x55: {  	v58 =	vld [tilespmem:s0+$0xFFFFFFD0]  }
0x56: {  	v59 =	vld [tilespmem:s0+$0xD0];
	v0 =	vmul.f32 v1, v0  }
0x57: {  	v1 =	vld [tilespmem:s0+$0xFFFFFF80]  }
0x58: {  	[tilespmem:s0+$0x190] =	vst v0;
	v0 =	vld [tilespmem:s0+$0x1A0]  }
0x59: {  	v8 =	vld [tilespmem:s1+$0x1A0]  }
0x5a: {  	v60 =	vld [tilespmem:s0+$0xFFFFFFE0]  }
0x5b: {  	v61 =	vld [tilespmem:s0+$0xE0]  }
0x5c: {  	v62 =	vld [tilespmem:s0+$0xFFFFFE70];
	v1 =	vmul.f32 v7, v1  }
0x5d: {  	v3 =	vmul.f32 v4, v3;
	v4 =	vld [tilespmem:s0+$0xFFFFFE00]  }
0x5e: {  	[tilespmem:s0+$0xFFFFFF80] =	vst v1;
	v1 =	vmul.f32 v12, v11;
	v11 =	vld [tilespmem:s0+$0xFFFFFF10];
	v0 =	vmul.f32 v8, v0  }
0x5f: {  	[tilespmem:s0+$0xFFFFFE80] =	vst v3;
	v8 =	vld [tilespmem:s1+$0x100]  }
0x60: {  	[tilespmem:s0+$0x1A0] =	vst v0;
	v0 =	vmul.f32 v6, v5;
	v5 =	vld [tilespmem:s0+$0x1B0]  }
0x61: {  	v6 =	vld [tilespmem:s1+$0xFFFFFE90]  }
0x62: {  	v2 =	vmul.f32 v2, v4;
	v3 =	vld [tilespmem:s1+$0x1B0]  }
0x63: {  	[tilespmem:s0+$0xFFFFFF00] =	vst v0;
	v0 =	vmul.f32 v10, v9;
	v9 =	vld [tilespmem:s0+$0xFFFFFE10]  }
0x64: {  	[tilespmem:s0+$0xFFFFFE00] =	vst v2;
	v7 =	vld [tilespmem:s1+$0xFFFFFF10];
	v4 =	vmul.f32 v8, v13  }
0x65: {  	[tilespmem:s0+$0x0] =	vst v0;
	v0 =	vld [tilespmem:s1+$0xFFFFFF90]  }
0x66: {  	[tilespmem:s0+$0x100] =	vst v4;
	v4 =	vld [tilespmem:s1+$0xFFFFFE10]  }
0x67: {  	[tilespmem:s0+$0x80] =	vst v1;
	v1 =	vld [tilespmem:s1+$0x10];
	v3 =	vmul.f32 v3, v5  }
0x68: {  	v5 =	vld [tilespmem:s1+$0x110]  }
0x69: {  	[tilespmem:s0+$0x1B0] =	vst v3;
	v3 =	vld [tilespmem:s0+$0x1C0]  }
0x6a: {  	v8 =	vld [tilespmem:s1+$0x1C0]  }
0x6b: {  	v4 =	vmul.f32 v4, v9;
	v9 =	vld [tilespmem:s0+$0x110]  }
0x6c: {  	v2 =	vld [tilespmem:s1+$0x90]  }
0x6d: {  	v10 =	vld [tilespmem:s0+$0xFFFFFE90];
	v0 =	vmul.f32 v0, v50  }
0x6e: {  	v1 =	vmul.f32 v1, v51;
	[tilespmem:s0+$0xFFFFFE10] =	vst v4;
	v4 =	vmul.f32 v7, v11;
	v11 =	vld [tilespmem:s0+$0xFFFFFF20]  }
0x6f: {  	[tilespmem:s0+$0xFFFFFF90] =	vst v0;
	v3 =	vmul.f32 v8, v3;
	v8 =	vld [tilespmem:s0+$0x90]  }
0x70: {  	[tilespmem:s0+$0x10] =	vst v1;
	v1 =	vmul.f32 v5, v9;
	v5 =	vld [tilespmem:s1+$0xFFFFFFA0]  }
0x71: {  	v9 =	vld [tilespmem:s0+$0xFFFFFE20]  }
0x72: {  	[tilespmem:s0+$0x1C0] =	vst v3;
	v3 =	vmul.f32 v6, v10;
	v6 =	vld [tilespmem:s0+$0x1D0]  }
0x73: {  	v10 =	vld [tilespmem:s0+$0xFFFFFEA0]  }
0x74: {  	v7 =	vld [tilespmem:s1+$0x1D0]  }
0x75: {  	[tilespmem:s0+$0xFFFFFE90] =	vst v3;
	v3 =	vld [tilespmem:s1+$0xFFFFFE20]  }
0x76: {  	[tilespmem:s0+$0xFFFFFF10] =	vst v4;
	v4 =	vld [tilespmem:s1+$0xFFFFFEA0];
	v0 =	vmul.f32 v2, v8  }
0x77: {  	v2 =	vld [tilespmem:s1+$0xFFFFFF20]  }
0x78: {  	v8 =	vld [tilespmem:s1+$0x20];
	[tilespmem:s0+$0x90] =	vst v0  }
0x79: {  	[tilespmem:s0+$0x110] =	vst v1;
	v0 =	vmul.f32 v7, v6;
	v6 =	vld [tilespmem:s1+$0xA0]  }
0x7a: {  	v7 =	vld [tilespmem:s1+$0x120]  }
0x7b: {  	[tilespmem:s0+$0x1D0] =	vst v0;
	v0 =	vld [tilespmem:s0+$0x1E0]  }
0x7c: {  	v4 =	vmul.f32 v4, v10;
	v10 =	vld [tilespmem:s0+$0xFFFFFEB0]  }
0x7d: {  	v2 =	vmul.f32 v2, v11;
	v1 =	vld [tilespmem:s1+$0x1E0]  }
0x7e: {  	v11 =	vld [tilespmem:s0+$0xFFFFFF30];
	[tilespmem:s0+$0xFFFFFEA0] =	vst v4;
	v4 =	vmul.f32 v5, v52  }
0x7f: {  	[tilespmem:s0+$0xFFFFFF20] =	vst v2;
	v2 =	vmul.f32 v8, v53;
	v8 =	vld [tilespmem:s1+$0xFFFFFEB0]  }
0x80: {  	[tilespmem:s0+$0xFFFFFFA0] =	vst v4;
	v4 =	vmul.f32 v6, v14;
	v6 =	vld [tilespmem:s1+$0xFFFFFF30]  }
0x81: {  	[tilespmem:s0+$0x20] =	vst v2;
	v2 =	vld [tilespmem:s1+$0xFFFFFFB0]  }
0x82: {  	v0 =	vmul.f32 v1, v0;
	v1 =	vmul.f32 v3, v9;
	v3 =	vld [tilespmem:s0+$0x120]  }
0x83: {  	[tilespmem:s0+$0xA0] =	vst v4;
	v4 =	vld [tilespmem:s1+$0x30]  }
0x84: {  	[tilespmem:s0+$0x1E0] =	vst v0;
	v0 =	vld [tilespmem:s0+$0x1F0]  }
0x85: {  	v8 =	vmul.f32 v8, v10;
	v10 =	vld [tilespmem:s0+$0x130]  }
0x86: {  	[tilespmem:s0+$0xFFFFFE20] =	vst v1;
	v1 =	vld [tilespmem:s1+$0x1F0]  }
0x87: {  	v5 =	vld [tilespmem:s1+$0xFFFFFE30];
	v3 =	vmul.f32 v7, v3  }
0x88: {  	v7 =	vld [tilespmem:s1+$0xB0]  }
0x89: {  	v6 =	vmul.f32 v6, v11;
	[tilespmem:s0+$0x120] =	vst v3;
	v3 =	vld [tilespmem:s0+$0xFFFFFE30]  }
0x8a: {  	[tilespmem:s0+$0xFFFFFEB0] =	vst v8;
	v9 =	vld [tilespmem:s1+$0x130]  }
0x8b: {  	v8 =	vld [tilespmem:s1+$0xFFFFFEC0];
	[tilespmem:s0+$0xFFFFFF30] =	vst v6;
	v0 =	vmul.f32 v1, v0  }
0x8c: {  	v6 =	vld [tilespmem:s1+$0xFFFFFF40]  }
0x8d: {  	v4 =	vmul.f32 v4, v55;
	[tilespmem:s0+$0x1F0] =	vst v0;
	v0 =	vld [tilespmem:s0+$0xF0]  }
0x8e: {  	v3 =	vmul.f32 v5, v3;
	v5 =	vld [tilespmem:s0+$0xB0]  }
0x8f: {  	[tilespmem:s0+$0x30] =	vst v4;
	v4 =	vmul.f32 v9, v10;
	v10 =	vld [tilespmem:s0+$0xFFFFFF40]  }
0x90: {  	[tilespmem:s0+$0xFFFFFE30] =	vst v3;
	v3 =	vld [tilespmem:s0+$0xFFFFFE40]  }
0x91: {  	v2 =	vmul.f32 v2, v54;
	v11 =	vld [tilespmem:s1+$0xFFFFFE40]  }
0x92: {  	v9 =	vld [tilespmem:s0+$0xFFFFFEC0];
	[tilespmem:s0+$0x130] =	vst v4  }
0x93: {  	[tilespmem:s0+$0xFFFFFFB0] =	vst v2;
	v4 =	vld [tilespmem:s1+$0x140]  }
0x94: {  	v2 =	vmul.f32 v7, v5;
	v5 =	vld [tilespmem:s1+$0xFFFFFFC0]  }
0x95: {  	v7 =	vld [tilespmem:s1+$0x40]  }
0x96: {  	v6 =	vmul.f32 v6, v10;
	v10 =	vld [tilespmem:s0+$0xFFFFFE50];
	v3 =	vmul.f32 v11, v3  }
0x97: {  	[tilespmem:s0+$0xB0] =	vst v2;
	v11 =	vld [tilespmem:s0+$0x40]  }
0x98: {  	v2 =	vld [tilespmem:s1+$0xC0];
	[tilespmem:s0+$0xFFFFFE40] =	vst v3;
	v3 =	vmul.f32 v8, v9  }
0x99: {  	v8 =	vld [tilespmem:s0+$0x140]  }
0x9a: {  	v9 =	vld [tilespmem:s1+$0xFFFFFE50];
	[tilespmem:s0+$0xFFFFFEC0] =	vst v3  }
0x9b: {  	[tilespmem:s0+$0xFFFFFF40] =	vst v6;
	v3 =	vmul.f32 v5, v56;
	v5 =	vld [tilespmem:s1+$0xFFFFFED0]  }
0x9c: {  	v6 =	vmul.f32 v7, v11;
	v7 =	vld [tilespmem:s1+$0xFFFFFF50]  }
0x9d: {  	v11 =	vld [tilespmem:s0+$0xFFFFFF50];
	[tilespmem:s0+$0xFFFFFFC0] =	vst v3  }
0x9e: {  	v2 =	vmul.f32 v2, v57;
	v3 =	vld [tilespmem:s1+$0xFFFFFFD0]  }
0x9f: {  	[tilespmem:s0+$0x40] =	vst v6;
	v4 =	vmul.f32 v4, v8;
	v8 =	vld [tilespmem:s0+$0xFFFFFED0]  }
0xa0: {  	[tilespmem:s0+$0xC0] =	vst v2;
	v6 =	vld [tilespmem:s1+$0x50]  }
0xa1: {  	v2 =	vld [tilespmem:s1+$0xD0]  }
0xa2: {  	v9 =	vmul.f32 v9, v10;
	v10 =	vld [tilespmem:s0+$0x50];
	[tilespmem:s0+$0x140] =	vst v4  }
0xa3: {  	v4 =	vld [tilespmem:s1+$0x150]  }
0xa4: {  	[tilespmem:s0+$0xFFFFFE50] =	vst v9;
	v7 =	vmul.f32 v7, v11;
	v11 =	vld [tilespmem:s0+$0xFFFFFE60]  }
0xa5: {  	v9 =	vld [tilespmem:s1+$0xFFFFFE60]  }
0xa6: {  	v5 =	vmul.f32 v5, v8;
	v8 =	vld [tilespmem:s0+$0x150];
	[tilespmem:s0+$0xFFFFFF50] =	vst v7  }
0xa7: {  	v3 =	vmul.f32 v3, v58;
	v7 =	vld [tilespmem:s1+$0xFFFFFF60]  }
0xa8: {  	v6 =	vmul.f32 v6, v10;
	v10 =	vld [tilespmem:s0+$0xFFFFFF60];
	[tilespmem:s0+$0xFFFFFED0] =	vst v5  }
0xa9: {  	v2 =	vmul.f32 v2, v59;
	[tilespmem:s0+$0xFFFFFFD0] =	vst v3;
	v5 =	vld [tilespmem:s1+$0xFFFFFEE0]  }
0xaa: {  	v3 =	vld [tilespmem:s1+$0xFFFFFFE0];
	[tilespmem:s0+$0x50] =	vst v6  }
0xab: {  	[tilespmem:s0+$0xD0] =	vst v2;
	v6 =	vld [tilespmem:s1+$0x60]  }
0xac: {  	v2 =	vld [tilespmem:s1+$0xE0]  }
0xad: {  	v9 =	vmul.f32 v9, v11;
	v4 =	vmul.f32 v4, v8;
	v8 =	vld [tilespmem:s0+$0xFFFFFEE0]  }
0xae: {  	v11 =	vld [tilespmem:s0+$0x60]  }
0xaf: {  	[tilespmem:s0+$0xFFFFFE60] =	vst v9;
	v9 =	vld [tilespmem:s0+$0xFFFFFF70]  }
0xb0: {  	v7 =	vmul.f32 v7, v10;
	[tilespmem:s0+$0x150] =	vst v4;
	v10 =	vld [tilespmem:s1+$0xFFFFFE70];
	v3 =	vmul.f32 v3, v60  }
0xb1: {  	v4 =	vld [tilespmem:s1+$0x160]  }
0xb2: {  	v5 =	vmul.f32 v5, v8;
	v8 =	vld [tilespmem:s0+$0x160];
	[tilespmem:s0+$0xFFFFFFE0] =	vst v3  }
0xb3: {  	[tilespmem:s0+$0xFFFFFF60] =	vst v7;
	v3 =	vld [tilespmem:s1+$0xFFFFFFF0]  }
0xb4: {  	v2 =	vmul.f32 v2, v61;
	[tilespmem:s0+$0xFFFFFEE0] =	vst v5;
	v5 =	vmul.f32 v6, v11;
	v6 =	vld [tilespmem:s1+$0xFFFFFF70]  }
0xb5: {  	v11 =	vld [tilespmem:s0+$0xFFFFFEF0]  }
0xb6: {  	[tilespmem:s0+$0xE0] =	vst v2;
	v63 =	vld [tilespmem:s1+$0xFFFFFEF0]  }
0xb7: {  	[tilespmem:s0+$0x60] =	vst v5;
	v5 =	vld [tilespmem:s1+$0xF0]  }
0xb8: {  	v7 =	vmul.f32 v4, v8;
	v4 =	vld [tilespmem:s1+$0x70]  }
0xb9: {  	v1 =	vmul.f32 v10, v62;
	v8 =	vld [tilespmem:s0+$0xFFFFFFF0]  }
0xba: {  	[tilespmem:s0+$0x160] =	vst v7;
	v7 =	vld [tilespmem:s0+$0x70]  }
0xbb: {  	[tilespmem:s0+$0xFFFFFE70] =	vst v1;
	v1 =	vld [tilespmem:s0+$0x170]  }
0xbc: {  	s2 =	simm.s32 $0x0;
	s18 =	simm.s32 $0x2740;
	v2 =	vld [tilespmem:s1+$0x170];
	v10 =	vmul.f32 v63, v11  }
.LBB2_2:
0xbd: {  	v11 =	vld [tilespmem:s18+$0x180];
	v6 =	vmul.f32 v6, v9;
	s1 =	sadd.s32 $0x400, s1  }
0xbe: {  	s2 =	sadd.s32 $0x8, s2;
	v9 =	vld [tilespmem:s1+$0x180];
	[tilespmem:s0+$0xFFFFFEF0] =	vst v10;
	v3 =	vmul.f32 v3, v8  }
0xbf: {  	p1 =	slt.u32 s2, $0x78;
	v8 =	vld [tilespmem:s1+$0xFFFFFE00];
	[tilespmem:s0+$0xFFFFFF70] =	vst v6;
	v4 =	vmul.f32 v4, v7  }
0xc0: {  	v6 =	vld [tilespmem:s18+$0xFFFFFE80];
	[tilespmem:s0+$0xFFFFFFF0] =	vst v3;
	v0 =	vmul.f32 v5, v0  }
0xc1: {  	v3 =	vld [tilespmem:s1+$0xFFFFFE80];
	[tilespmem:s0+$0x70] =	vst v4;
	v1 =	vmul.f32 v2, v1  }
0xc2: {  	v2 =	vld [tilespmem:s18+$0xFFFFFF00];
	[tilespmem:s0+$0xF0] =	vst v0  }
0xc3: {  	v0 =	vld [tilespmem:s1+$0xFFFFFF00];
	v4 =	vmul.f32 v9, v11;
	[tilespmem:s0+$0x170] =	vst v1;
	s0 =	smov.u32 s18  }
0xc4: {  	v1 =	vld [tilespmem:s18+$0xFFFFFF80]  }
0xc5: {  	[tilespmem:s18+$0x180] =	vst v4;
	v4 =	vld [tilespmem:s18+$0x190]  }
0xc6: {  	v3 =	vmul.f32 v3, v6;
	v5 =	vld [tilespmem:s1+$0x190]  }
0xc7: {  	v6 =	vld [tilespmem:s1+$0xFFFFFF80]  }
0xc8: {  	[tilespmem:s18+$0xFFFFFE80] =	vst v3;
	v0 =	vmul.f32 v0, v2;
	v2 =	vld [tilespmem:s18+$0x0]  }
0xc9: {  	v3 =	vld [tilespmem:s1+$0x0]  }
0xca: {  	[tilespmem:s18+$0xFFFFFF00] =	vst v0;
	v0 =	vld [tilespmem:s18+$0x80]  }
0xcb: {  	v7 =	vld [tilespmem:s1+$0x80];
	v4 =	vmul.f32 v5, v4  }
0xcc: {  	v1 =	vmul.f32 v6, v1;
	v5 =	vld [tilespmem:s18+$0x100]  }
0xcd: {  	[tilespmem:s18+$0x190] =	vst v4;
	v4 =	vld [tilespmem:s18+$0x1A0]  }
0xce: {  	[tilespmem:s18+$0xFFFFFF80] =	vst v1;
	v1 =	vmul.f32 v3, v2;
	v2 =	vld [tilespmem:s1+$0x1A0]  }
0xcf: {  	v3 =	vld [tilespmem:s1+$0x100]  }
0xd0: {  	v6 =	vld [tilespmem:s18+$0xFFFFFE00];
	[tilespmem:s18+$0x0] =	vst v1;
	v0 =	vmul.f32 v7, v0  }
0xd1: {  	v1 =	vld [tilespmem:s1+$0xFFFFFE90]  }
0xd2: {  	v7 =	vld [tilespmem:s1+$0xFFFFFF10];
	[tilespmem:s18+$0x80] =	vst v0  }
0xd3: {  	v0 =	vld [tilespmem:s1+$0xFFFFFF90];
	v2 =	vmul.f32 v2, v4  }
0xd4: {  	v4 =	vld [tilespmem:s1+$0x10];
	v3 =	vmul.f32 v3, v5  }
0xd5: {  	v5 =	vmul.f32 v8, v6;
	[tilespmem:s18+$0x1A0] =	vst v2;
	v2 =	vld [tilespmem:s18+$0x1B0]  }
0xd6: {  	[tilespmem:s18+$0x100] =	vst v3;
	v3 =	vld [tilespmem:s1+$0x1B0]  }
0xd7: {  	[tilespmem:s18+$0xFFFFFE00] =	vst v5;
	v5 =	vld [tilespmem:s1+$0x90]  }
0xd8: {  	v6 =	vld [tilespmem:s1+$0xFFFFFE10]  }
0xd9: {  	v8 =	vld [tilespmem:s1+$0x110]  }
0xda: {  	v9 =	vld [tilespmem:s18+$0xFFFFFE10]  }
0xdb: {  	v10 =	vld [tilespmem:s18+$0xFFFFFE90];
	v2 =	vmul.f32 v3, v2  }
0xdc: {  	v3 =	vld [tilespmem:s18+$0xFFFFFF10]  }
0xdd: {  	[tilespmem:s18+$0x1B0] =	vst v2;
	v2 =	vld [tilespmem:s18+$0x1C0]  }
0xde: {  	v11 =	vld [tilespmem:s1+$0x1C0]  }
0xdf: {  	v6 =	vmul.f32 v6, v9;
	v9 =	vld [tilespmem:s18+$0xFFFFFF90]  }
0xe0: {  	v1 =	vmul.f32 v1, v10;
	v10 =	vld [tilespmem:s18+$0x10]  }
0xe1: {  	[tilespmem:s18+$0xFFFFFE10] =	vst v6;
	v3 =	vmul.f32 v7, v3;
	v6 =	vld [tilespmem:s18+$0x90]  }
0xe2: {  	[tilespmem:s18+$0xFFFFFE90] =	vst v1;
	v1 =	vld [tilespmem:s18+$0x110]  }
0xe3: {  	v7 =	vld [tilespmem:s1+$0xFFFFFE20];
	[tilespmem:s18+$0xFFFFFF10] =	vst v3;
	v2 =	vmul.f32 v11, v2  }
0xe4: {  	v3 =	vld [tilespmem:s1+$0xFFFFFEA0];
	v0 =	vmul.f32 v0, v9  }
0xe5: {  	v4 =	vmul.f32 v4, v10;
	[tilespmem:s18+$0x1C0] =	vst v2;
	v2 =	vld [tilespmem:s18+$0x1D0]  }
0xe6: {  	[tilespmem:s18+$0xFFFFFF90] =	vst v0;
	v0 =	vmul.f32 v5, v6;
	v5 =	vld [tilespmem:s1+$0x1D0]  }
0xe7: {  	v6 =	vld [tilespmem:s1+$0xFFFFFF20];
	[tilespmem:s18+$0x10] =	vst v4;
	v1 =	vmul.f32 v8, v1  }
0xe8: {  	v4 =	vld [tilespmem:s1+$0xFFFFFFA0];
	[tilespmem:s18+$0x90] =	vst v0  }
0xe9: {  	v0 =	vld [tilespmem:s1+$0x20];
	[tilespmem:s18+$0x110] =	vst v1  }
0xea: {  	v1 =	vld [tilespmem:s1+$0xA0]  }
0xeb: {  	v8 =	vld [tilespmem:s1+$0x120];
	v2 =	vmul.f32 v5, v2  }
0xec: {  	v5 =	vld [tilespmem:s18+$0xFFFFFE20]  }
0xed: {  	[tilespmem:s18+$0x1D0] =	vst v2;
	v2 =	vld [tilespmem:s18+$0x1E0]  }
0xee: {  	v9 =	vld [tilespmem:s1+$0x1E0]  }
0xef: {  	v10 =	vld [tilespmem:s18+$0xFFFFFEA0]  }
0xf0: {  	v11 =	vld [tilespmem:s18+$0xFFFFFF20]  }
0xf1: {  	v5 =	vmul.f32 v7, v5;
	v7 =	vld [tilespmem:s18+$0xFFFFFFA0]  }
0xf2: {  	v12 =	vld [tilespmem:s18+$0x20]  }
0xf3: {  	[tilespmem:s18+$0xFFFFFE20] =	vst v5;
	v5 =	vld [tilespmem:s18+$0xA0];
	v2 =	vmul.f32 v9, v2  }
0xf4: {  	v3 =	vmul.f32 v3, v10;
	v9 =	vld [tilespmem:s18+$0x120]  }
0xf5: {  	v6 =	vmul.f32 v6, v11;
	[tilespmem:s18+$0x1E0] =	vst v2;
	v2 =	vld [tilespmem:s18+$0x1F0]  }
0xf6: {  	[tilespmem:s18+$0xFFFFFEA0] =	vst v3;
	v3 =	vmul.f32 v4, v7;
	v4 =	vld [tilespmem:s1+$0x1F0]  }
0xf7: {  	v7 =	vld [tilespmem:s1+$0xFFFFFE30];
	[tilespmem:s18+$0xFFFFFF20] =	vst v6;
	v0 =	vmul.f32 v0, v12  }
0xf8: {  	v6 =	vld [tilespmem:s1+$0xFFFFFEB0];
	[tilespmem:s18+$0xFFFFFFA0] =	vst v3;
	v1 =	vmul.f32 v1, v5  }
0xf9: {  	v3 =	vld [tilespmem:s1+$0xFFFFFF30];
	[tilespmem:s18+$0x20] =	vst v0;
	v0 =	vmul.f32 v8, v9  }
0xfa: {  	v5 =	vld [tilespmem:s1+$0xFFFFFFB0];
	[tilespmem:s18+$0xA0] =	vst v1  }
0xfb: {  	v1 =	vld [tilespmem:s1+$0x30];
	[tilespmem:s18+$0x120] =	vst v0;
	v0 =	vmul.f32 v4, v2  }
0xfc: {  	v2 =	vld [tilespmem:s1+$0xB0]  }
0xfd: {  	v4 =	vld [tilespmem:s1+$0x130];
	[tilespmem:s18+$0x1F0] =	vst v0  }
0xfe: {  	v0 =	vld [tilespmem:s18+$0xFFFFFE30]  }
0xff: {  	v8 =	vld [tilespmem:s18+$0xFFFFFEB0]  }
0x100: {  	v9 =	vld [tilespmem:s18+$0xFFFFFF30]  }
0x101: {  	v10 =	vld [tilespmem:s18+$0xFFFFFFB0]  }
0x102: {  	v11 =	vld [tilespmem:s18+$0x30]  }
0x103: {  	v0 =	vmul.f32 v7, v0;
	v7 =	vld [tilespmem:s18+$0xB0]  }
0x104: {  	v6 =	vmul.f32 v6, v8;
	v8 =	vld [tilespmem:s18+$0x130]  }
0x105: {  	[tilespmem:s18+$0xFFFFFE30] =	vst v0;
	v0 =	vld [tilespmem:s18+$0xFFFFFE40];
	v3 =	vmul.f32 v3, v9  }
0x106: {  	v9 =	vld [tilespmem:s1+$0xFFFFFE40];
	[tilespmem:s18+$0xFFFFFEB0] =	vst v6;
	v5 =	vmul.f32 v5, v10  }
0x107: {  	v6 =	vld [tilespmem:s1+$0xFFFFFEC0];
	[tilespmem:s18+$0xFFFFFF30] =	vst v3;
	v1 =	vmul.f32 v1, v11  }
0x108: {  	v3 =	vld [tilespmem:s1+$0xFFFFFF40];
	[tilespmem:s18+$0xFFFFFFB0] =	vst v5;
	v2 =	vmul.f32 v2, v7  }
0x109: {  	v5 =	vld [tilespmem:s1+$0xFFFFFFC0];
	[tilespmem:s18+$0x30] =	vst v1;
	v1 =	vmul.f32 v4, v8  }
0x10a: {  	v4 =	vld [tilespmem:s1+$0x40];
	[tilespmem:s18+$0xB0] =	vst v2  }
0x10b: {  	v0 =	vmul.f32 v9, v0;
	v2 =	vld [tilespmem:s1+$0xC0];
	[tilespmem:s18+$0x130] =	vst v1  }
0x10c: {  	v1 =	vld [tilespmem:s1+$0x140]  }
0x10d: {  	[tilespmem:s18+$0xFFFFFE40] =	vst v0;
	v0 =	vld [tilespmem:s18+$0xFFFFFEC0]  }
0x10e: {  	v7 =	vld [tilespmem:s18+$0xFFFFFF40]  }
0x10f: {  	v8 =	vld [tilespmem:s18+$0xFFFFFFC0]  }
0x110: {  	v9 =	vld [tilespmem:s18+$0x40]  }
0x111: {  	v10 =	vld [tilespmem:s18+$0xC0]  }
0x112: {  	v0 =	vmul.f32 v6, v0;
	v6 =	vld [tilespmem:s18+$0x140]  }
0x113: {  	v11 =	vld [tilespmem:s1+$0xFFFFFE50];
	v3 =	vmul.f32 v3, v7  }
0x114: {  	v7 =	vld [tilespmem:s18+$0xFFFFFE50];
	[tilespmem:s18+$0xFFFFFEC0] =	vst v0;
	v0 =	vmul.f32 v5, v8  }
0x115: {  	v5 =	vld [tilespmem:s1+$0xFFFFFED0];
	[tilespmem:s18+$0xFFFFFF40] =	vst v3;
	v3 =	vmul.f32 v4, v9  }
0x116: {  	v4 =	vld [tilespmem:s1+$0xFFFFFF50];
	[tilespmem:s18+$0xFFFFFFC0] =	vst v0;
	v0 =	vmul.f32 v2, v10  }
0x117: {  	v2 =	vld [tilespmem:s1+$0xFFFFFFD0];
	[tilespmem:s18+$0x40] =	vst v3;
	v1 =	vmul.f32 v1, v6  }
0x118: {  	v3 =	vld [tilespmem:s1+$0x50];
	[tilespmem:s18+$0xC0] =	vst v0  }
0x119: {  	v0 =	vmul.f32 v11, v7;
	v6 =	vld [tilespmem:s1+$0xD0];
	[tilespmem:s18+$0x140] =	vst v1  }
0x11a: {  	v1 =	vld [tilespmem:s1+$0x150]  }
0x11b: {  	[tilespmem:s18+$0xFFFFFE50] =	vst v0;
	v0 =	vld [tilespmem:s18+$0xFFFFFED0]  }
0x11c: {  	v7 =	vld [tilespmem:s18+$0xFFFFFF50]  }
0x11d: {  	v8 =	vld [tilespmem:s18+$0xFFFFFFD0]  }
0x11e: {  	v9 =	vld [tilespmem:s18+$0x50]  }
0x11f: {  	v10 =	vld [tilespmem:s18+$0xD0]  }
0x120: {  	v0 =	vmul.f32 v5, v0;
	v5 =	vld [tilespmem:s18+$0x150]  }
0x121: {  	v11 =	vld [tilespmem:s1+$0xFFFFFE60];
	v4 =	vmul.f32 v4, v7  }
0x122: {  	v7 =	vld [tilespmem:s18+$0xFFFFFE60];
	[tilespmem:s18+$0xFFFFFED0] =	vst v0;
	v0 =	vmul.f32 v2, v8  }
0x123: {  	v2 =	vld [tilespmem:s1+$0xFFFFFEE0];
	[tilespmem:s18+$0xFFFFFF50] =	vst v4;
	v3 =	vmul.f32 v3, v9  }
0x124: {  	v4 =	vld [tilespmem:s1+$0xFFFFFF60];
	[tilespmem:s18+$0xFFFFFFD0] =	vst v0;
	v0 =	vmul.f32 v6, v10  }
0x125: {  	v6 =	vld [tilespmem:s1+$0xFFFFFFE0];
	[tilespmem:s18+$0x50] =	vst v3;
	v1 =	vmul.f32 v1, v5  }
0x126: {  	v3 =	vld [tilespmem:s1+$0x60];
	[tilespmem:s18+$0xD0] =	vst v0  }
0x127: {  	v0 =	vmul.f32 v11, v7;
	v5 =	vld [tilespmem:s1+$0xE0];
	[tilespmem:s18+$0x150] =	vst v1  }
0x128: {  	v1 =	vld [tilespmem:s1+$0x160]  }
0x129: {  	[tilespmem:s18+$0xFFFFFE60] =	vst v0;
	v0 =	vld [tilespmem:s18+$0xFFFFFEE0]  }
0x12a: {  	v7 =	vld [tilespmem:s18+$0xFFFFFF60]  }
0x12b: {  	v8 =	vld [tilespmem:s18+$0xFFFFFFE0]  }
0x12c: {  	v9 =	vld [tilespmem:s18+$0x60]  }
0x12d: {  	v10 =	vld [tilespmem:s18+$0xE0]  }
0x12e: {  	v0 =	vmul.f32 v2, v0;
	v2 =	vld [tilespmem:s18+$0x160]  }
0x12f: {  	v11 =	vld [tilespmem:s1+$0xFFFFFE70];
	v4 =	vmul.f32 v4, v7  }
0x130: {  	v7 =	vld [tilespmem:s18+$0xFFFFFE70];
	[tilespmem:s18+$0xFFFFFEE0] =	vst v0;
	v0 =	vmul.f32 v6, v8  }
0x131: {  	v12 =	vld [tilespmem:s1+$0xFFFFFEF0];
	[tilespmem:s18+$0xFFFFFF60] =	vst v4;
	v4 =	vmul.f32 v3, v9  }
0x132: {  	v6 =	vld [tilespmem:s1+$0xFFFFFF70];
	[tilespmem:s18+$0xFFFFFFE0] =	vst v0;
	v0 =	vmul.f32 v5, v10  }
0x133: {  	v3 =	vld [tilespmem:s1+$0xFFFFFFF0];
	[tilespmem:s18+$0x60] =	vst v4;
	v1 =	vmul.f32 v1, v2  }
0x134: {  	v4 =	vld [tilespmem:s1+$0x70];
	[tilespmem:s18+$0xE0] =	vst v0  }
0x135: {  	v0 =	vmul.f32 v11, v7;
	v5 =	vld [tilespmem:s1+$0xF0];
	[tilespmem:s18+$0x160] =	vst v1  }
0x136: {  	v2 =	vld [tilespmem:s1+$0x170]  }
0x137: {  	[tilespmem:s18+$0xFFFFFE70] =	vst v0;
	v1 =	vld [tilespmem:s18+$0xFFFFFEF0]  }
.Ltmp0:
0x138: {  	v9 =	vld [tilespmem:s18+$0xFFFFFF70];
	(pc) =	sbr.rel @p1 .LBB2_2-.Ltmp0, $4  }
0x139: {  	v8 =	vld [tilespmem:s18+$0xFFFFFFF0]  }
0x13a: {  	v7 =	vld [tilespmem:s18+$0x70]  }
0x13b: {  	v0 =	vld [tilespmem:s18+$0xF0]  }
0x13c: {  	s18 =	sadd.s32 $0x400, s18;
	v10 =	vmul.f32 v12, v1;
	v1 =	vld [tilespmem:s0+$0x170]  }
0x13d: {  	v6 =	vmul.f32 v6, v9  }
0x13e: {  	[tilespmem:s0+$0xFFFFFEF0] =	vst v10;
	v3 =	vmul.f32 v3, v8  }
0x13f: {  	[tilespmem:s0+$0xFFFFFF70] =	vst v6;
	v4 =	vmul.f32 v4, v7  }
0x140: {  	[tilespmem:s0+$0xFFFFFFF0] =	vst v3;
	v0 =	vmul.f32 v5, v0  }
0x141: {  	[tilespmem:s0+$0x70] =	vst v4;
	v1 =	vmul.f32 v2, v1  }
0x142: {  	[tilespmem:s0+$0xF0] =	vst v0  }
0x143: {  	[tilespmem:s0+$0x170] =	vst v1  }
0x144: {  	_ =	strace $0x9000004E  }
0x145: {  	[hbm4b:s10+s4] =	stream.linear.scatter [tilespmem:s20], [sflag:$0x5], $0x4000, $0x38;
	[tilespmem:$0x12140] =	vst v63  }
0x146: {  	_ =	swait.ge [sflag:s26], $0x4000  }
0x147: {  	[sflag:s26] =	ssyncset.done $0x0  }
0x148: {  	s2 =	simm.s32 $0x100;
	[sflag:s26] =	ssyncadd.s32 $0xFFFFC000  }
0x149: {  	[tilespmem:s20], [sflag:$0x1] =	stream.indirect.gather [spmem:s3], $0x80, s2, s19, $0xb8;
	[tilespmem:$0x12140] =	vst v63  }
0x14a: {  	s18 =	simm.s32 $0xA140  }
0x14b: {  	[tilespmem:s18], [sflag:$0x3] =	stream.linear.gather [hbm4b:s11+s4], $0x4000, $0x38;
	[tilespmem:$0x12140] =	vst v63  }
0x14c: {  	_ =	strace $0x8000004F  }
0x14d: {  	_ =	swait.ge [sflag:s29], $0x4000  }
0x14e: {  	[sflag:s29] =	ssyncset.done $0x0  }
0x14f: {  	[sflag:s29] =	ssyncadd.s32 $0xFFFFC000  }
0x150: {  	_ =	strace $0x9000004F  }
0x151: {  	_ =	strace $0x80000050  }
0x152: {  	_ =	swait.ge [sflag:s30], $0x4000  }
0x153: {  	[sflag:s30] =	ssyncset.done $0x0  }
0x154: {  	[sflag:s30] =	ssyncadd.s32 $0xFFFFC000  }
0x155: {  	_ =	strace $0x90000050  }
0x156: {  	s0 =	simm.s32 $0x6340;
	_ =	strace $0x80000051  }
0x157: {  	s1 =	simm.s32 $0xE340;
	v0 =	vld [tilespmem:s0+$0x180]  }
0x158: {  	v1 =	vld [tilespmem:s1+$0x180]  }
0x159: {  	v2 =	vld [tilespmem:s1+$0xFFFFFE00]  }
0x15a: {  	v3 =	vld [tilespmem:s0+$0xFFFFFE80]  }
0x15b: {  	v4 =	vld [tilespmem:s1+$0xFFFFFE80]  }
0x15c: {  	v5 =	vld [tilespmem:s0+$0xFFFFFF00]  }
0x15d: {  	v6 =	vld [tilespmem:s1+$0xFFFFFF00]  }
0x15e: {  	v7 =	vld [tilespmem:s1+$0xFFFFFF80]  }
0x15f: {  	v9 =	vld [tilespmem:s0+$0x0]  }
0x160: {  	v10 =	vld [tilespmem:s1+$0x0]  }
0x161: {  	v11 =	vld [tilespmem:s0+$0x80]  }
0x162: {  	v12 =	vld [tilespmem:s1+$0x80]  }
0x163: {  	v13 =	vld [tilespmem:s0+$0x100]  }
0x164: {  	v50 =	vld [tilespmem:s0+$0xFFFFFF90]  }
0x165: {  	v51 =	vld [tilespmem:s0+$0x10]  }
0x166: {  	v52 =	vld [tilespmem:s0+$0xFFFFFFA0]  }
0x167: {  	v53 =	vld [tilespmem:s0+$0x20]  }
0x168: {  	v14 =	vld [tilespmem:s0+$0xA0];
	v0 =	vmul.f32 v1, v0  }
0x169: {  	v54 =	vld [tilespmem:s0+$0xFFFFFFB0]  }
0x16a: {  	[tilespmem:s0+$0x180] =	vst v0;
	v0 =	vld [tilespmem:s0+$0x190]  }
0x16b: {  	v1 =	vld [tilespmem:s1+$0x190]  }
0x16c: {  	v55 =	vld [tilespmem:s0+$0x30]  }
0x16d: {  	v56 =	vld [tilespmem:s0+$0xFFFFFFC0]  }
0x16e: {  	v57 =	vld [tilespmem:s0+$0xC0]  }
0x16f: {  	v58 =	vld [tilespmem:s0+$0xFFFFFFD0]  }
0x170: {  	v59 =	vld [tilespmem:s0+$0xD0];
	v0 =	vmul.f32 v1, v0  }
0x171: {  	v1 =	vld [tilespmem:s0+$0xFFFFFF80]  }
0x172: {  	[tilespmem:s0+$0x190] =	vst v0;
	v0 =	vld [tilespmem:s0+$0x1A0]  }
0x173: {  	v8 =	vld [tilespmem:s1+$0x1A0]  }
0x174: {  	v60 =	vld [tilespmem:s0+$0xFFFFFFE0]  }
0x175: {  	v61 =	vld [tilespmem:s0+$0xE0]  }
0x176: {  	v62 =	vld [tilespmem:s0+$0xFFFFFE70];
	v1 =	vmul.f32 v7, v1  }
0x177: {  	v3 =	vmul.f32 v4, v3;
	v4 =	vld [tilespmem:s0+$0xFFFFFE00]  }
0x178: {  	[tilespmem:s0+$0xFFFFFF80] =	vst v1;
	v1 =	vmul.f32 v12, v11;
	v11 =	vld [tilespmem:s0+$0xFFFFFF10];
	v0 =	vmul.f32 v8, v0  }
0x179: {  	[tilespmem:s0+$0xFFFFFE80] =	vst v3;
	v8 =	vld [tilespmem:s1+$0x100]  }
0x17a: {  	[tilespmem:s0+$0x1A0] =	vst v0;
	v0 =	vmul.f32 v6, v5;
	v5 =	vld [tilespmem:s0+$0x1B0]  }
0x17b: {  	v6 =	vld [tilespmem:s1+$0xFFFFFE90]  }
0x17c: {  	v2 =	vmul.f32 v2, v4;
	v3 =	vld [tilespmem:s1+$0x1B0]  }
0x17d: {  	[tilespmem:s0+$0xFFFFFF00] =	vst v0;
	v0 =	vmul.f32 v10, v9;
	v9 =	vld [tilespmem:s0+$0xFFFFFE10]  }
0x17e: {  	[tilespmem:s0+$0xFFFFFE00] =	vst v2;
	v7 =	vld [tilespmem:s1+$0xFFFFFF10];
	v4 =	vmul.f32 v8, v13  }
0x17f: {  	[tilespmem:s0+$0x0] =	vst v0;
	v0 =	vld [tilespmem:s1+$0xFFFFFF90]  }
0x180: {  	[tilespmem:s0+$0x100] =	vst v4;
	v4 =	vld [tilespmem:s1+$0xFFFFFE10]  }
0x181: {  	[tilespmem:s0+$0x80] =	vst v1;
	v1 =	vld [tilespmem:s1+$0x10];
	v3 =	vmul.f32 v3, v5  }
0x182: {  	v5 =	vld [tilespmem:s1+$0x110]  }
0x183: {  	[tilespmem:s0+$0x1B0] =	vst v3;
	v3 =	vld [tilespmem:s0+$0x1C0]  }
0x184: {  	v8 =	vld [tilespmem:s1+$0x1C0]  }
0x185: {  	v4 =	vmul.f32 v4, v9;
	v9 =	vld [tilespmem:s0+$0x110]  }
0x186: {  	v2 =	vld [tilespmem:s1+$0x90]  }
0x187: {  	v10 =	vld [tilespmem:s0+$0xFFFFFE90];
	v0 =	vmul.f32 v0, v50  }
0x188: {  	v1 =	vmul.f32 v1, v51;
	[tilespmem:s0+$0xFFFFFE10] =	vst v4;
	v4 =	vmul.f32 v7, v11;
	v11 =	vld [tilespmem:s0+$0xFFFFFF20]  }
0x189: {  	[tilespmem:s0+$0xFFFFFF90] =	vst v0;
	v3 =	vmul.f32 v8, v3;
	v8 =	vld [tilespmem:s0+$0x90]  }
0x18a: {  	[tilespmem:s0+$0x10] =	vst v1;
	v1 =	vmul.f32 v5, v9;
	v5 =	vld [tilespmem:s1+$0xFFFFFFA0]  }
0x18b: {  	v9 =	vld [tilespmem:s0+$0xFFFFFE20]  }
0x18c: {  	[tilespmem:s0+$0x1C0] =	vst v3;
	v3 =	vmul.f32 v6, v10;
	v6 =	vld [tilespmem:s0+$0x1D0]  }
0x18d: {  	v10 =	vld [tilespmem:s0+$0xFFFFFEA0]  }
0x18e: {  	v7 =	vld [tilespmem:s1+$0x1D0]  }
0x18f: {  	[tilespmem:s0+$0xFFFFFE90] =	vst v3;
	v3 =	vld [tilespmem:s1+$0xFFFFFE20]  }
0x190: {  	[tilespmem:s0+$0xFFFFFF10] =	vst v4;
	v4 =	vld [tilespmem:s1+$0xFFFFFEA0];
	v0 =	vmul.f32 v2, v8  }
0x191: {  	v2 =	vld [tilespmem:s1+$0xFFFFFF20]  }
0x192: {  	v8 =	vld [tilespmem:s1+$0x20];
	[tilespmem:s0+$0x90] =	vst v0  }
0x193: {  	[tilespmem:s0+$0x110] =	vst v1;
	v0 =	vmul.f32 v7, v6;
	v6 =	vld [tilespmem:s1+$0xA0]  }
0x194: {  	v7 =	vld [tilespmem:s1+$0x120]  }
0x195: {  	[tilespmem:s0+$0x1D0] =	vst v0;
	v0 =	vld [tilespmem:s0+$0x1E0]  }
0x196: {  	v4 =	vmul.f32 v4, v10;
	v10 =	vld [tilespmem:s0+$0xFFFFFEB0]  }
0x197: {  	v2 =	vmul.f32 v2, v11;
	v1 =	vld [tilespmem:s1+$0x1E0]  }
0x198: {  	v11 =	vld [tilespmem:s0+$0xFFFFFF30];
	[tilespmem:s0+$0xFFFFFEA0] =	vst v4;
	v4 =	vmul.f32 v5, v52  }
0x199: {  	[tilespmem:s0+$0xFFFFFF20] =	vst v2;
	v2 =	vmul.f32 v8, v53;
	v8 =	vld [tilespmem:s1+$0xFFFFFEB0]  }
0x19a: {  	[tilespmem:s0+$0xFFFFFFA0] =	vst v4;
	v4 =	vmul.f32 v6, v14;
	v6 =	vld [tilespmem:s1+$0xFFFFFF30]  }
0x19b: {  	[tilespmem:s0+$0x20] =	vst v2;
	v2 =	vld [tilespmem:s1+$0xFFFFFFB0]  }
0x19c: {  	v0 =	vmul.f32 v1, v0;
	v1 =	vmul.f32 v3, v9;
	v3 =	vld [tilespmem:s0+$0x120]  }
0x19d: {  	[tilespmem:s0+$0xA0] =	vst v4;
	v4 =	vld [tilespmem:s1+$0x30]  }
0x19e: {  	[tilespmem:s0+$0x1E0] =	vst v0;
	v0 =	vld [tilespmem:s0+$0x1F0]  }
0x19f: {  	v8 =	vmul.f32 v8, v10;
	v10 =	vld [tilespmem:s0+$0x130]  }
0x1a0: {  	[tilespmem:s0+$0xFFFFFE20] =	vst v1;
	v1 =	vld [tilespmem:s1+$0x1F0]  }
0x1a1: {  	v5 =	vld [tilespmem:s1+$0xFFFFFE30];
	v3 =	vmul.f32 v7, v3  }
0x1a2: {  	v7 =	vld [tilespmem:s1+$0xB0]  }
0x1a3: {  	v6 =	vmul.f32 v6, v11;
	[tilespmem:s0+$0x120] =	vst v3;
	v3 =	vld [tilespmem:s0+$0xFFFFFE30]  }
0x1a4: {  	[tilespmem:s0+$0xFFFFFEB0] =	vst v8;
	v9 =	vld [tilespmem:s1+$0x130]  }
0x1a5: {  	v8 =	vld [tilespmem:s1+$0xFFFFFEC0];
	[tilespmem:s0+$0xFFFFFF30] =	vst v6;
	v0 =	vmul.f32 v1, v0  }
0x1a6: {  	v6 =	vld [tilespmem:s1+$0xFFFFFF40]  }
0x1a7: {  	v4 =	vmul.f32 v4, v55;
	[tilespmem:s0+$0x1F0] =	vst v0;
	v0 =	vld [tilespmem:s0+$0xF0]  }
0x1a8: {  	v3 =	vmul.f32 v5, v3;
	v5 =	vld [tilespmem:s0+$0xB0]  }
0x1a9: {  	[tilespmem:s0+$0x30] =	vst v4;
	v4 =	vmul.f32 v9, v10;
	v10 =	vld [tilespmem:s0+$0xFFFFFF40]  }
0x1aa: {  	[tilespmem:s0+$0xFFFFFE30] =	vst v3;
	v3 =	vld [tilespmem:s0+$0xFFFFFE40]  }
0x1ab: {  	v2 =	vmul.f32 v2, v54;
	v11 =	vld [tilespmem:s1+$0xFFFFFE40]  }
0x1ac: {  	v9 =	vld [tilespmem:s0+$0xFFFFFEC0];
	[tilespmem:s0+$0x130] =	vst v4  }
0x1ad: {  	[tilespmem:s0+$0xFFFFFFB0] =	vst v2;
	v4 =	vld [tilespmem:s1+$0x140]  }
0x1ae: {  	v2 =	vmul.f32 v7, v5;
	v5 =	vld [tilespmem:s1+$0xFFFFFFC0]  }
0x1af: {  	v7 =	vld [tilespmem:s1+$0x40]  }
0x1b0: {  	v6 =	vmul.f32 v6, v10;
	v10 =	vld [tilespmem:s0+$0xFFFFFE50];
	v3 =	vmul.f32 v11, v3  }
0x1b1: {  	[tilespmem:s0+$0xB0] =	vst v2;
	v11 =	vld [tilespmem:s0+$0x40]  }
0x1b2: {  	v2 =	vld [tilespmem:s1+$0xC0];
	[tilespmem:s0+$0xFFFFFE40] =	vst v3;
	v3 =	vmul.f32 v8, v9  }
0x1b3: {  	v8 =	vld [tilespmem:s0+$0x140]  }
0x1b4: {  	v9 =	vld [tilespmem:s1+$0xFFFFFE50];
	[tilespmem:s0+$0xFFFFFEC0] =	vst v3  }
0x1b5: {  	[tilespmem:s0+$0xFFFFFF40] =	vst v6;
	v3 =	vmul.f32 v5, v56;
	v5 =	vld [tilespmem:s1+$0xFFFFFED0]  }
0x1b6: {  	v6 =	vmul.f32 v7, v11;
	v7 =	vld [tilespmem:s1+$0xFFFFFF50]  }
0x1b7: {  	v11 =	vld [tilespmem:s0+$0xFFFFFF50];
	[tilespmem:s0+$0xFFFFFFC0] =	vst v3  }
0x1b8: {  	v2 =	vmul.f32 v2, v57;
	v3 =	vld [tilespmem:s1+$0xFFFFFFD0]  }
0x1b9: {  	[tilespmem:s0+$0x40] =	vst v6;
	v4 =	vmul.f32 v4, v8;
	v8 =	vld [tilespmem:s0+$0xFFFFFED0]  }
0x1ba: {  	[tilespmem:s0+$0xC0] =	vst v2;
	v6 =	vld [tilespmem:s1+$0x50]  }
0x1bb: {  	v2 =	vld [tilespmem:s1+$0xD0]  }
0x1bc: {  	v9 =	vmul.f32 v9, v10;
	v10 =	vld [tilespmem:s0+$0x50];
	[tilespmem:s0+$0x140] =	vst v4  }
0x1bd: {  	v4 =	vld [tilespmem:s1+$0x150]  }
0x1be: {  	[tilespmem:s0+$0xFFFFFE50] =	vst v9;
	v7 =	vmul.f32 v7, v11;
	v11 =	vld [tilespmem:s0+$0xFFFFFE60]  }
0x1bf: {  	v9 =	vld [tilespmem:s1+$0xFFFFFE60]  }
0x1c0: {  	v5 =	vmul.f32 v5, v8;
	v8 =	vld [tilespmem:s0+$0x150];
	[tilespmem:s0+$0xFFFFFF50] =	vst v7  }
0x1c1: {  	v3 =	vmul.f32 v3, v58;
	v7 =	vld [tilespmem:s1+$0xFFFFFF60]  }
0x1c2: {  	v6 =	vmul.f32 v6, v10;
	v10 =	vld [tilespmem:s0+$0xFFFFFF60];
	[tilespmem:s0+$0xFFFFFED0] =	vst v5  }
0x1c3: {  	v2 =	vmul.f32 v2, v59;
	[tilespmem:s0+$0xFFFFFFD0] =	vst v3;
	v5 =	vld [tilespmem:s1+$0xFFFFFEE0]  }
0x1c4: {  	v3 =	vld [tilespmem:s1+$0xFFFFFFE0];
	[tilespmem:s0+$0x50] =	vst v6  }
0x1c5: {  	[tilespmem:s0+$0xD0] =	vst v2;
	v6 =	vld [tilespmem:s1+$0x60]  }
0x1c6: {  	v2 =	vld [tilespmem:s1+$0xE0]  }
0x1c7: {  	v9 =	vmul.f32 v9, v11;
	v4 =	vmul.f32 v4, v8;
	v8 =	vld [tilespmem:s0+$0xFFFFFEE0]  }
0x1c8: {  	v11 =	vld [tilespmem:s0+$0x60]  }
0x1c9: {  	[tilespmem:s0+$0xFFFFFE60] =	vst v9;
	v9 =	vld [tilespmem:s0+$0xFFFFFF70]  }
0x1ca: {  	v7 =	vmul.f32 v7, v10;
	[tilespmem:s0+$0x150] =	vst v4;
	v10 =	vld [tilespmem:s1+$0xFFFFFE70];
	v3 =	vmul.f32 v3, v60  }
0x1cb: {  	v4 =	vld [tilespmem:s1+$0x160]  }
0x1cc: {  	v5 =	vmul.f32 v5, v8;
	v8 =	vld [tilespmem:s0+$0x160];
	[tilespmem:s0+$0xFFFFFFE0] =	vst v3  }
0x1cd: {  	[tilespmem:s0+$0xFFFFFF60] =	vst v7;
	v3 =	vld [tilespmem:s1+$0xFFFFFFF0]  }
0x1ce: {  	v2 =	vmul.f32 v2, v61;
	[tilespmem:s0+$0xFFFFFEE0] =	vst v5;
	v5 =	vmul.f32 v6, v11;
	v6 =	vld [tilespmem:s1+$0xFFFFFF70]  }
0x1cf: {  	v11 =	vld [tilespmem:s0+$0xFFFFFEF0]  }
0x1d0: {  	[tilespmem:s0+$0xE0] =	vst v2;
	v63 =	vld [tilespmem:s1+$0xFFFFFEF0]  }
0x1d1: {  	[tilespmem:s0+$0x60] =	vst v5;
	v5 =	vld [tilespmem:s1+$0xF0]  }
0x1d2: {  	v7 =	vmul.f32 v4, v8;
	v4 =	vld [tilespmem:s1+$0x70]  }
0x1d3: {  	v1 =	vmul.f32 v10, v62;
	v8 =	vld [tilespmem:s0+$0xFFFFFFF0]  }
0x1d4: {  	[tilespmem:s0+$0x160] =	vst v7;
	v7 =	vld [tilespmem:s0+$0x70]  }
0x1d5: {  	[tilespmem:s0+$0xFFFFFE70] =	vst v1;
	v1 =	vld [tilespmem:s0+$0x170]  }
0x1d6: {  	s2 =	simm.s32 $0x0;
	s18 =	simm.s32 $0x6740;
	v2 =	vld [tilespmem:s1+$0x170];
	v10 =	vmul.f32 v63, v11  }
.LBB2_4:
0x1d7: {  	v11 =	vld [tilespmem:s18+$0x180];
	v6 =	vmul.f32 v6, v9;
	s1 =	sadd.s32 $0x400, s1  }
0x1d8: {  	s2 =	sadd.s32 $0x8, s2;
	v9 =	vld [tilespmem:s1+$0x180];
	[tilespmem:s0+$0xFFFFFEF0] =	vst v10;
	v3 =	vmul.f32 v3, v8  }
0x1d9: {  	p1 =	slt.u32 s2, $0x78;
	v8 =	vld [tilespmem:s1+$0xFFFFFE00];
	[tilespmem:s0+$0xFFFFFF70] =	vst v6;
	v4 =	vmul.f32 v4, v7  }
0x1da: {  	v6 =	vld [tilespmem:s18+$0xFFFFFE80];
	[tilespmem:s0+$0xFFFFFFF0] =	vst v3;
	v0 =	vmul.f32 v5, v0  }
0x1db: {  	v3 =	vld [tilespmem:s1+$0xFFFFFE80];
	[tilespmem:s0+$0x70] =	vst v4;
	v1 =	vmul.f32 v2, v1  }
0x1dc: {  	v2 =	vld [tilespmem:s18+$0xFFFFFF00];
	[tilespmem:s0+$0xF0] =	vst v0  }
0x1dd: {  	v0 =	vld [tilespmem:s1+$0xFFFFFF00];
	v4 =	vmul.f32 v9, v11;
	[tilespmem:s0+$0x170] =	vst v1;
	s0 =	smov.u32 s18  }
0x1de: {  	v1 =	vld [tilespmem:s18+$0xFFFFFF80]  }
0x1df: {  	[tilespmem:s18+$0x180] =	vst v4;
	v4 =	vld [tilespmem:s18+$0x190]  }
0x1e0: {  	v3 =	vmul.f32 v3, v6;
	v5 =	vld [tilespmem:s1+$0x190]  }
0x1e1: {  	v6 =	vld [tilespmem:s1+$0xFFFFFF80]  }
0x1e2: {  	[tilespmem:s18+$0xFFFFFE80] =	vst v3;
	v0 =	vmul.f32 v0, v2;
	v2 =	vld [tilespmem:s18+$0x0]  }
0x1e3: {  	v3 =	vld [tilespmem:s1+$0x0]  }
0x1e4: {  	[tilespmem:s18+$0xFFFFFF00] =	vst v0;
	v0 =	vld [tilespmem:s18+$0x80]  }
0x1e5: {  	v7 =	vld [tilespmem:s1+$0x80];
	v4 =	vmul.f32 v5, v4  }
0x1e6: {  	v1 =	vmul.f32 v6, v1;
	v5 =	vld [tilespmem:s18+$0x100]  }
0x1e7: {  	[tilespmem:s18+$0x190] =	vst v4;
	v4 =	vld [tilespmem:s18+$0x1A0]  }
0x1e8: {  	[tilespmem:s18+$0xFFFFFF80] =	vst v1;
	v1 =	vmul.f32 v3, v2;
	v2 =	vld [tilespmem:s1+$0x1A0]  }
0x1e9: {  	v3 =	vld [tilespmem:s1+$0x100]  }
0x1ea: {  	v6 =	vld [tilespmem:s18+$0xFFFFFE00];
	[tilespmem:s18+$0x0] =	vst v1;
	v0 =	vmul.f32 v7, v0  }
0x1eb: {  	v1 =	vld [tilespmem:s1+$0xFFFFFE90]  }
0x1ec: {  	v7 =	vld [tilespmem:s1+$0xFFFFFF10];
	[tilespmem:s18+$0x80] =	vst v0  }
0x1ed: {  	v0 =	vld [tilespmem:s1+$0xFFFFFF90];
	v2 =	vmul.f32 v2, v4  }
0x1ee: {  	v4 =	vld [tilespmem:s1+$0x10];
	v3 =	vmul.f32 v3, v5  }
0x1ef: {  	v5 =	vmul.f32 v8, v6;
	[tilespmem:s18+$0x1A0] =	vst v2;
	v2 =	vld [tilespmem:s18+$0x1B0]  }
0x1f0: {  	[tilespmem:s18+$0x100] =	vst v3;
	v3 =	vld [tilespmem:s1+$0x1B0]  }
0x1f1: {  	[tilespmem:s18+$0xFFFFFE00] =	vst v5;
	v5 =	vld [tilespmem:s1+$0x90]  }
0x1f2: {  	v6 =	vld [tilespmem:s1+$0xFFFFFE10]  }
0x1f3: {  	v8 =	vld [tilespmem:s1+$0x110]  }
0x1f4: {  	v9 =	vld [tilespmem:s18+$0xFFFFFE10]  }
0x1f5: {  	v10 =	vld [tilespmem:s18+$0xFFFFFE90];
	v2 =	vmul.f32 v3, v2  }
0x1f6: {  	v3 =	vld [tilespmem:s18+$0xFFFFFF10]  }
0x1f7: {  	[tilespmem:s18+$0x1B0] =	vst v2;
	v2 =	vld [tilespmem:s18+$0x1C0]  }
0x1f8: {  	v11 =	vld [tilespmem:s1+$0x1C0]  }
0x1f9: {  	v6 =	vmul.f32 v6, v9;
	v9 =	vld [tilespmem:s18+$0xFFFFFF90]  }
0x1fa: {  	v1 =	vmul.f32 v1, v10;
	v10 =	vld [tilespmem:s18+$0x10]  }
0x1fb: {  	[tilespmem:s18+$0xFFFFFE10] =	vst v6;
	v3 =	vmul.f32 v7, v3;
	v6 =	vld [tilespmem:s18+$0x90]  }
0x1fc: {  	[tilespmem:s18+$0xFFFFFE90] =	vst v1;
	v1 =	vld [tilespmem:s18+$0x110]  }
0x1fd: {  	v7 =	vld [tilespmem:s1+$0xFFFFFE20];
	[tilespmem:s18+$0xFFFFFF10] =	vst v3;
	v2 =	vmul.f32 v11, v2  }
0x1fe: {  	v3 =	vld [tilespmem:s1+$0xFFFFFEA0];
	v0 =	vmul.f32 v0, v9  }
0x1ff: {  	v4 =	vmul.f32 v4, v10;
	[tilespmem:s18+$0x1C0] =	vst v2;
	v2 =	vld [tilespmem:s18+$0x1D0]  }
0x200: {  	[tilespmem:s18+$0xFFFFFF90] =	vst v0;
	v0 =	vmul.f32 v5, v6;
	v5 =	vld [tilespmem:s1+$0x1D0]  }
0x201: {  	v6 =	vld [tilespmem:s1+$0xFFFFFF20];
	[tilespmem:s18+$0x10] =	vst v4;
	v1 =	vmul.f32 v8, v1  }
0x202: {  	v4 =	vld [tilespmem:s1+$0xFFFFFFA0];
	[tilespmem:s18+$0x90] =	vst v0  }
0x203: {  	v0 =	vld [tilespmem:s1+$0x20];
	[tilespmem:s18+$0x110] =	vst v1  }
0x204: {  	v1 =	vld [tilespmem:s1+$0xA0]  }
0x205: {  	v8 =	vld [tilespmem:s1+$0x120];
	v2 =	vmul.f32 v5, v2  }
0x206: {  	v5 =	vld [tilespmem:s18+$0xFFFFFE20]  }
0x207: {  	[tilespmem:s18+$0x1D0] =	vst v2;
	v2 =	vld [tilespmem:s18+$0x1E0]  }
0x208: {  	v9 =	vld [tilespmem:s1+$0x1E0]  }
0x209: {  	v10 =	vld [tilespmem:s18+$0xFFFFFEA0]  }
0x20a: {  	v11 =	vld [tilespmem:s18+$0xFFFFFF20]  }
0x20b: {  	v5 =	vmul.f32 v7, v5;
	v7 =	vld [tilespmem:s18+$0xFFFFFFA0]  }
0x20c: {  	v12 =	vld [tilespmem:s18+$0x20]  }
0x20d: {  	[tilespmem:s18+$0xFFFFFE20] =	vst v5;
	v5 =	vld [tilespmem:s18+$0xA0];
	v2 =	vmul.f32 v9, v2  }
0x20e: {  	v3 =	vmul.f32 v3, v10;
	v9 =	vld [tilespmem:s18+$0x120]  }
0x20f: {  	v6 =	vmul.f32 v6, v11;
	[tilespmem:s18+$0x1E0] =	vst v2;
	v2 =	vld [tilespmem:s18+$0x1F0]  }
0x210: {  	[tilespmem:s18+$0xFFFFFEA0] =	vst v3;
	v3 =	vmul.f32 v4, v7;
	v4 =	vld [tilespmem:s1+$0x1F0]  }
0x211: {  	v7 =	vld [tilespmem:s1+$0xFFFFFE30];
	[tilespmem:s18+$0xFFFFFF20] =	vst v6;
	v0 =	vmul.f32 v0, v12  }
0x212: {  	v6 =	vld [tilespmem:s1+$0xFFFFFEB0];
	[tilespmem:s18+$0xFFFFFFA0] =	vst v3;
	v1 =	vmul.f32 v1, v5  }
0x213: {  	v3 =	vld [tilespmem:s1+$0xFFFFFF30];
	[tilespmem:s18+$0x20] =	vst v0;
	v0 =	vmul.f32 v8, v9  }
0x214: {  	v5 =	vld [tilespmem:s1+$0xFFFFFFB0];
	[tilespmem:s18+$0xA0] =	vst v1  }
0x215: {  	v1 =	vld [tilespmem:s1+$0x30];
	[tilespmem:s18+$0x120] =	vst v0;
	v0 =	vmul.f32 v4, v2  }
0x216: {  	v2 =	vld [tilespmem:s1+$0xB0]  }
0x217: {  	v4 =	vld [tilespmem:s1+$0x130];
	[tilespmem:s18+$0x1F0] =	vst v0  }
0x218: {  	v0 =	vld [tilespmem:s18+$0xFFFFFE30]  }
0x219: {  	v8 =	vld [tilespmem:s18+$0xFFFFFEB0]  }
0x21a: {  	v9 =	vld [tilespmem:s18+$0xFFFFFF30]  }
0x21b: {  	v10 =	vld [tilespmem:s18+$0xFFFFFFB0]  }
0x21c: {  	v11 =	vld [tilespmem:s18+$0x30]  }
0x21d: {  	v0 =	vmul.f32 v7, v0;
	v7 =	vld [tilespmem:s18+$0xB0]  }
0x21e: {  	v6 =	vmul.f32 v6, v8;
	v8 =	vld [tilespmem:s18+$0x130]  }
0x21f: {  	[tilespmem:s18+$0xFFFFFE30] =	vst v0;
	v0 =	vld [tilespmem:s18+$0xFFFFFE40];
	v3 =	vmul.f32 v3, v9  }
0x220: {  	v9 =	vld [tilespmem:s1+$0xFFFFFE40];
	[tilespmem:s18+$0xFFFFFEB0] =	vst v6;
	v5 =	vmul.f32 v5, v10  }
0x221: {  	v6 =	vld [tilespmem:s1+$0xFFFFFEC0];
	[tilespmem:s18+$0xFFFFFF30] =	vst v3;
	v1 =	vmul.f32 v1, v11  }
0x222: {  	v3 =	vld [tilespmem:s1+$0xFFFFFF40];
	[tilespmem:s18+$0xFFFFFFB0] =	vst v5;
	v2 =	vmul.f32 v2, v7  }
0x223: {  	v5 =	vld [tilespmem:s1+$0xFFFFFFC0];
	[tilespmem:s18+$0x30] =	vst v1;
	v1 =	vmul.f32 v4, v8  }
0x224: {  	v4 =	vld [tilespmem:s1+$0x40];
	[tilespmem:s18+$0xB0] =	vst v2  }
0x225: {  	v0 =	vmul.f32 v9, v0;
	v2 =	vld [tilespmem:s1+$0xC0];
	[tilespmem:s18+$0x130] =	vst v1  }
0x226: {  	v1 =	vld [tilespmem:s1+$0x140]  }
0x227: {  	[tilespmem:s18+$0xFFFFFE40] =	vst v0;
	v0 =	vld [tilespmem:s18+$0xFFFFFEC0]  }
0x228: {  	v7 =	vld [tilespmem:s18+$0xFFFFFF40]  }
0x229: {  	v8 =	vld [tilespmem:s18+$0xFFFFFFC0]  }
0x22a: {  	v9 =	vld [tilespmem:s18+$0x40]  }
0x22b: {  	v10 =	vld [tilespmem:s18+$0xC0]  }
0x22c: {  	v0 =	vmul.f32 v6, v0;
	v6 =	vld [tilespmem:s18+$0x140]  }
0x22d: {  	v11 =	vld [tilespmem:s1+$0xFFFFFE50];
	v3 =	vmul.f32 v3, v7  }
0x22e: {  	v7 =	vld [tilespmem:s18+$0xFFFFFE50];
	[tilespmem:s18+$0xFFFFFEC0] =	vst v0;
	v0 =	vmul.f32 v5, v8  }
0x22f: {  	v5 =	vld [tilespmem:s1+$0xFFFFFED0];
	[tilespmem:s18+$0xFFFFFF40] =	vst v3;
	v3 =	vmul.f32 v4, v9  }
0x230: {  	v4 =	vld [tilespmem:s1+$0xFFFFFF50];
	[tilespmem:s18+$0xFFFFFFC0] =	vst v0;
	v0 =	vmul.f32 v2, v10  }
0x231: {  	v2 =	vld [tilespmem:s1+$0xFFFFFFD0];
	[tilespmem:s18+$0x40] =	vst v3;
	v1 =	vmul.f32 v1, v6  }
0x232: {  	v3 =	vld [tilespmem:s1+$0x50];
	[tilespmem:s18+$0xC0] =	vst v0  }
0x233: {  	v0 =	vmul.f32 v11, v7;
	v6 =	vld [tilespmem:s1+$0xD0];
	[tilespmem:s18+$0x140] =	vst v1  }
0x234: {  	v1 =	vld [tilespmem:s1+$0x150]  }
0x235: {  	[tilespmem:s18+$0xFFFFFE50] =	vst v0;
	v0 =	vld [tilespmem:s18+$0xFFFFFED0]  }
0x236: {  	v7 =	vld [tilespmem:s18+$0xFFFFFF50]  }
0x237: {  	v8 =	vld [tilespmem:s18+$0xFFFFFFD0]  }
0x238: {  	v9 =	vld [tilespmem:s18+$0x50]  }
0x239: {  	v10 =	vld [tilespmem:s18+$0xD0]  }
0x23a: {  	v0 =	vmul.f32 v5, v0;
	v5 =	vld [tilespmem:s18+$0x150]  }
0x23b: {  	v11 =	vld [tilespmem:s1+$0xFFFFFE60];
	v4 =	vmul.f32 v4, v7  }
0x23c: {  	v7 =	vld [tilespmem:s18+$0xFFFFFE60];
	[tilespmem:s18+$0xFFFFFED0] =	vst v0;
	v0 =	vmul.f32 v2, v8  }
0x23d: {  	v2 =	vld [tilespmem:s1+$0xFFFFFEE0];
	[tilespmem:s18+$0xFFFFFF50] =	vst v4;
	v3 =	vmul.f32 v3, v9  }
0x23e: {  	v4 =	vld [tilespmem:s1+$0xFFFFFF60];
	[tilespmem:s18+$0xFFFFFFD0] =	vst v0;
	v0 =	vmul.f32 v6, v10  }
0x23f: {  	v6 =	vld [tilespmem:s1+$0xFFFFFFE0];
	[tilespmem:s18+$0x50] =	vst v3;
	v1 =	vmul.f32 v1, v5  }
0x240: {  	v3 =	vld [tilespmem:s1+$0x60];
	[tilespmem:s18+$0xD0] =	vst v0  }
0x241: {  	v0 =	vmul.f32 v11, v7;
	v5 =	vld [tilespmem:s1+$0xE0];
	[tilespmem:s18+$0x150] =	vst v1  }
0x242: {  	v1 =	vld [tilespmem:s1+$0x160]  }
0x243: {  	[tilespmem:s18+$0xFFFFFE60] =	vst v0;
	v0 =	vld [tilespmem:s18+$0xFFFFFEE0]  }
0x244: {  	v7 =	vld [tilespmem:s18+$0xFFFFFF60]  }
0x245: {  	v8 =	vld [tilespmem:s18+$0xFFFFFFE0]  }
0x246: {  	v9 =	vld [tilespmem:s18+$0x60]  }
0x247: {  	v10 =	vld [tilespmem:s18+$0xE0]  }
0x248: {  	v0 =	vmul.f32 v2, v0;
	v2 =	vld [tilespmem:s18+$0x160]  }
0x249: {  	v11 =	vld [tilespmem:s1+$0xFFFFFE70];
	v4 =	vmul.f32 v4, v7  }
0x24a: {  	v7 =	vld [tilespmem:s18+$0xFFFFFE70];
	[tilespmem:s18+$0xFFFFFEE0] =	vst v0;
	v0 =	vmul.f32 v6, v8  }
0x24b: {  	v12 =	vld [tilespmem:s1+$0xFFFFFEF0];
	[tilespmem:s18+$0xFFFFFF60] =	vst v4;
	v4 =	vmul.f32 v3, v9  }
0x24c: {  	v6 =	vld [tilespmem:s1+$0xFFFFFF70];
	[tilespmem:s18+$0xFFFFFFE0] =	vst v0;
	v0 =	vmul.f32 v5, v10  }
0x24d: {  	v3 =	vld [tilespmem:s1+$0xFFFFFFF0];
	[tilespmem:s18+$0x60] =	vst v4;
	v1 =	vmul.f32 v1, v2  }
0x24e: {  	v4 =	vld [tilespmem:s1+$0x70];
	[tilespmem:s18+$0xE0] =	vst v0  }
0x24f: {  	v0 =	vmul.f32 v11, v7;
	v5 =	vld [tilespmem:s1+$0xF0];
	[tilespmem:s18+$0x160] =	vst v1  }
0x250: {  	v2 =	vld [tilespmem:s1+$0x170]  }
0x251: {  	[tilespmem:s18+$0xFFFFFE70] =	vst v0;
	v1 =	vld [tilespmem:s18+$0xFFFFFEF0]  }
.Ltmp1:
0x252: {  	v9 =	vld [tilespmem:s18+$0xFFFFFF70];
	(pc) =	sbr.rel @p1 .LBB2_4-.Ltmp1, $4  }
0x253: {  	v8 =	vld [tilespmem:s18+$0xFFFFFFF0]  }
0x254: {  	v7 =	vld [tilespmem:s18+$0x70]  }
0x255: {  	v0 =	vld [tilespmem:s18+$0xF0]  }
0x256: {  	s18 =	sadd.s32 $0x400, s18;
	v10 =	vmul.f32 v12, v1;
	v1 =	vld [tilespmem:s0+$0x170]  }
0x257: {  	v6 =	vmul.f32 v6, v9  }
0x258: {  	[tilespmem:s0+$0xFFFFFEF0] =	vst v10;
	v3 =	vmul.f32 v3, v8  }
0x259: {  	[tilespmem:s0+$0xFFFFFF70] =	vst v6;
	v4 =	vmul.f32 v4, v7  }
0x25a: {  	[tilespmem:s0+$0xFFFFFFF0] =	vst v3;
	v0 =	vmul.f32 v5, v0  }
0x25b: {  	[tilespmem:s0+$0x70] =	vst v4;
	v1 =	vmul.f32 v2, v1  }
0x25c: {  	[tilespmem:s0+$0xF0] =	vst v0  }
0x25d: {  	[tilespmem:s0+$0x170] =	vst v1  }
0x25e: {  	_ =	strace $0x90000051  }
0x25f: {  	[hbm4b:s12+s4] =	stream.linear.scatter [tilespmem:s22], [sflag:$0x6], $0x4000, $0x38;
	[tilespmem:$0x12140] =	vst v63  }
0x260: {  	_ =	swait.ge [sflag:s31], $0x4000  }
0x261: {  	[sflag:s31] =	ssyncset.done $0x0  }
0x262: {  	s18 =	simm.s32 $0x180;
	[sflag:s31] =	ssyncadd.s32 $0xFFFFC000  }
0x263: {  	[tilespmem:s22], [sflag:$0x2] =	stream.indirect.gather [spmem:s3], $0x80, s18, s19, $0xb8;
	[tilespmem:$0x12140] =	vst v63  }
0x264: {  	_ = 	snop  }
0x265: {  	[tilespmem:s23], [sflag:$0x4] =	stream.linear.gather [hbm4b:s13+s4], $0x4000, $0x38;
	[tilespmem:$0x12140] =	vst v63  }
0x266: {  	_ =	strace $0x80000052  }
0x267: {  	_ =	swait.ge [sflag:s24], $0x4000  }
0x268: {  	[sflag:s24] =	ssyncset.done $0x0  }
0x269: {  	[sflag:s24] =	ssyncadd.s32 $0xFFFFC000  }
0x26a: {  	_ =	strace $0x90000052  }
0x26b: {  	_ =	strace $0x80000053  }
0x26c: {  	_ =	swait.ge [sflag:s25], $0x4000  }
0x26d: {  	[sflag:s25] =	ssyncset.done $0x0  }
0x26e: {  	[sflag:s25] =	ssyncadd.s32 $0xFFFFC000  }
0x26f: {  	_ =	strace $0x90000053  }
0x270: {  	s0 =	simm.s32 $0x2340;
	_ =	strace $0x80000054  }
0x271: {  	s1 =	simm.s32 $0xA340;
	v0 =	vld [tilespmem:s0+$0x180]  }
0x272: {  	v1 =	vld [tilespmem:s1+$0x180]  }
0x273: {  	v2 =	vld [tilespmem:s1+$0xFFFFFE00]  }
0x274: {  	v3 =	vld [tilespmem:s0+$0xFFFFFE80]  }
0x275: {  	v4 =	vld [tilespmem:s1+$0xFFFFFE80]  }
0x276: {  	v5 =	vld [tilespmem:s0+$0xFFFFFF00]  }
0x277: {  	v6 =	vld [tilespmem:s1+$0xFFFFFF00]  }
0x278: {  	v7 =	vld [tilespmem:s1+$0xFFFFFF80]  }
0x279: {  	v9 =	vld [tilespmem:s0+$0x0]  }
0x27a: {  	v10 =	vld [tilespmem:s1+$0x0]  }
0x27b: {  	v11 =	vld [tilespmem:s0+$0x80]  }
0x27c: {  	v12 =	vld [tilespmem:s1+$0x80]  }
0x27d: {  	v13 =	vld [tilespmem:s0+$0x100]  }
0x27e: {  	v50 =	vld [tilespmem:s0+$0xFFFFFF90]  }
0x27f: {  	v51 =	vld [tilespmem:s0+$0x10]  }
0x280: {  	v52 =	vld [tilespmem:s0+$0xFFFFFFA0]  }
0x281: {  	v53 =	vld [tilespmem:s0+$0x20]  }
0x282: {  	v14 =	vld [tilespmem:s0+$0xA0];
	v0 =	vmul.f32 v1, v0  }
0x283: {  	v54 =	vld [tilespmem:s0+$0xFFFFFFB0]  }
0x284: {  	[tilespmem:s0+$0x180] =	vst v0;
	v0 =	vld [tilespmem:s0+$0x190]  }
0x285: {  	v1 =	vld [tilespmem:s1+$0x190]  }
0x286: {  	v55 =	vld [tilespmem:s0+$0x30]  }
0x287: {  	v56 =	vld [tilespmem:s0+$0xFFFFFFC0]  }
0x288: {  	v57 =	vld [tilespmem:s0+$0xC0]  }
0x289: {  	v58 =	vld [tilespmem:s0+$0xFFFFFFD0]  }
0x28a: {  	v59 =	vld [tilespmem:s0+$0xD0];
	v0 =	vmul.f32 v1, v0  }
0x28b: {  	v1 =	vld [tilespmem:s0+$0xFFFFFF80]  }
0x28c: {  	[tilespmem:s0+$0x190] =	vst v0;
	v0 =	vld [tilespmem:s0+$0x1A0]  }
0x28d: {  	v8 =	vld [tilespmem:s1+$0x1A0]  }
0x28e: {  	v60 =	vld [tilespmem:s0+$0xFFFFFFE0]  }
0x28f: {  	v61 =	vld [tilespmem:s0+$0xE0]  }
0x290: {  	v62 =	vld [tilespmem:s0+$0xFFFFFE70];
	v1 =	vmul.f32 v7, v1  }
0x291: {  	v3 =	vmul.f32 v4, v3;
	v4 =	vld [tilespmem:s0+$0xFFFFFE00]  }
0x292: {  	[tilespmem:s0+$0xFFFFFF80] =	vst v1;
	v1 =	vmul.f32 v12, v11;
	v11 =	vld [tilespmem:s0+$0xFFFFFF10];
	v0 =	vmul.f32 v8, v0  }
0x293: {  	[tilespmem:s0+$0xFFFFFE80] =	vst v3;
	v8 =	vld [tilespmem:s1+$0x100]  }
0x294: {  	[tilespmem:s0+$0x1A0] =	vst v0;
	v0 =	vmul.f32 v6, v5;
	v5 =	vld [tilespmem:s0+$0x1B0]  }
0x295: {  	v6 =	vld [tilespmem:s1+$0xFFFFFE90]  }
0x296: {  	v2 =	vmul.f32 v2, v4;
	v3 =	vld [tilespmem:s1+$0x1B0]  }
0x297: {  	[tilespmem:s0+$0xFFFFFF00] =	vst v0;
	v0 =	vmul.f32 v10, v9;
	v9 =	vld [tilespmem:s0+$0xFFFFFE10]  }
0x298: {  	[tilespmem:s0+$0xFFFFFE00] =	vst v2;
	v7 =	vld [tilespmem:s1+$0xFFFFFF10];
	v4 =	vmul.f32 v8, v13  }
0x299: {  	[tilespmem:s0+$0x0] =	vst v0;
	v0 =	vld [tilespmem:s1+$0xFFFFFF90]  }
0x29a: {  	[tilespmem:s0+$0x100] =	vst v4;
	v4 =	vld [tilespmem:s1+$0xFFFFFE10]  }
0x29b: {  	[tilespmem:s0+$0x80] =	vst v1;
	v1 =	vld [tilespmem:s1+$0x10];
	v3 =	vmul.f32 v3, v5  }
0x29c: {  	v5 =	vld [tilespmem:s1+$0x110]  }
0x29d: {  	[tilespmem:s0+$0x1B0] =	vst v3;
	v3 =	vld [tilespmem:s0+$0x1C0]  }
0x29e: {  	v8 =	vld [tilespmem:s1+$0x1C0]  }
0x29f: {  	v4 =	vmul.f32 v4, v9;
	v9 =	vld [tilespmem:s0+$0x110]  }
0x2a0: {  	v2 =	vld [tilespmem:s1+$0x90]  }
0x2a1: {  	v10 =	vld [tilespmem:s0+$0xFFFFFE90];
	v0 =	vmul.f32 v0, v50  }
0x2a2: {  	v1 =	vmul.f32 v1, v51;
	[tilespmem:s0+$0xFFFFFE10] =	vst v4;
	v4 =	vmul.f32 v7, v11;
	v11 =	vld [tilespmem:s0+$0xFFFFFF20]  }
0x2a3: {  	[tilespmem:s0+$0xFFFFFF90] =	vst v0;
	v3 =	vmul.f32 v8, v3;
	v8 =	vld [tilespmem:s0+$0x90]  }
0x2a4: {  	[tilespmem:s0+$0x10] =	vst v1;
	v1 =	vmul.f32 v5, v9;
	v5 =	vld [tilespmem:s1+$0xFFFFFFA0]  }
0x2a5: {  	v9 =	vld [tilespmem:s0+$0xFFFFFE20]  }
0x2a6: {  	[tilespmem:s0+$0x1C0] =	vst v3;
	v3 =	vmul.f32 v6, v10;
	v6 =	vld [tilespmem:s0+$0x1D0]  }
0x2a7: {  	v10 =	vld [tilespmem:s0+$0xFFFFFEA0]  }
0x2a8: {  	v7 =	vld [tilespmem:s1+$0x1D0]  }
0x2a9: {  	[tilespmem:s0+$0xFFFFFE90] =	vst v3;
	v3 =	vld [tilespmem:s1+$0xFFFFFE20]  }
0x2aa: {  	[tilespmem:s0+$0xFFFFFF10] =	vst v4;
	v4 =	vld [tilespmem:s1+$0xFFFFFEA0];
	v0 =	vmul.f32 v2, v8  }
0x2ab: {  	v2 =	vld [tilespmem:s1+$0xFFFFFF20]  }
0x2ac: {  	v8 =	vld [tilespmem:s1+$0x20];
	[tilespmem:s0+$0x90] =	vst v0  }
0x2ad: {  	[tilespmem:s0+$0x110] =	vst v1;
	v0 =	vmul.f32 v7, v6;
	v6 =	vld [tilespmem:s1+$0xA0]  }
0x2ae: {  	v7 =	vld [tilespmem:s1+$0x120]  }
0x2af: {  	[tilespmem:s0+$0x1D0] =	vst v0;
	v0 =	vld [tilespmem:s0+$0x1E0]  }
0x2b0: {  	v4 =	vmul.f32 v4, v10;
	v10 =	vld [tilespmem:s0+$0xFFFFFEB0]  }
0x2b1: {  	v2 =	vmul.f32 v2, v11;
	v1 =	vld [tilespmem:s1+$0x1E0]  }
0x2b2: {  	v11 =	vld [tilespmem:s0+$0xFFFFFF30];
	[tilespmem:s0+$0xFFFFFEA0] =	vst v4;
	v4 =	vmul.f32 v5, v52  }
0x2b3: {  	[tilespmem:s0+$0xFFFFFF20] =	vst v2;
	v2 =	vmul.f32 v8, v53;
	v8 =	vld [tilespmem:s1+$0xFFFFFEB0]  }
0x2b4: {  	[tilespmem:s0+$0xFFFFFFA0] =	vst v4;
	v4 =	vmul.f32 v6, v14;
	v6 =	vld [tilespmem:s1+$0xFFFFFF30]  }
0x2b5: {  	[tilespmem:s0+$0x20] =	vst v2;
	v2 =	vld [tilespmem:s1+$0xFFFFFFB0]  }
0x2b6: {  	v0 =	vmul.f32 v1, v0;
	v1 =	vmul.f32 v3, v9;
	v3 =	vld [tilespmem:s0+$0x120]  }
0x2b7: {  	[tilespmem:s0+$0xA0] =	vst v4;
	v4 =	vld [tilespmem:s1+$0x30]  }
0x2b8: {  	[tilespmem:s0+$0x1E0] =	vst v0;
	v0 =	vld [tilespmem:s0+$0x1F0]  }
0x2b9: {  	v8 =	vmul.f32 v8, v10;
	v10 =	vld [tilespmem:s0+$0x130]  }
0x2ba: {  	[tilespmem:s0+$0xFFFFFE20] =	vst v1;
	v1 =	vld [tilespmem:s1+$0x1F0]  }
0x2bb: {  	v5 =	vld [tilespmem:s1+$0xFFFFFE30];
	v3 =	vmul.f32 v7, v3  }
0x2bc: {  	v7 =	vld [tilespmem:s1+$0xB0]  }
0x2bd: {  	v6 =	vmul.f32 v6, v11;
	[tilespmem:s0+$0x120] =	vst v3;
	v3 =	vld [tilespmem:s0+$0xFFFFFE30]  }
0x2be: {  	[tilespmem:s0+$0xFFFFFEB0] =	vst v8;
	v9 =	vld [tilespmem:s1+$0x130]  }
0x2bf: {  	v8 =	vld [tilespmem:s1+$0xFFFFFEC0];
	[tilespmem:s0+$0xFFFFFF30] =	vst v6;
	v0 =	vmul.f32 v1, v0  }
0x2c0: {  	v6 =	vld [tilespmem:s1+$0xFFFFFF40]  }
0x2c1: {  	v4 =	vmul.f32 v4, v55;
	[tilespmem:s0+$0x1F0] =	vst v0;
	v0 =	vld [tilespmem:s0+$0xF0]  }
0x2c2: {  	v3 =	vmul.f32 v5, v3;
	v5 =	vld [tilespmem:s0+$0xB0]  }
0x2c3: {  	[tilespmem:s0+$0x30] =	vst v4;
	v4 =	vmul.f32 v9, v10;
	v10 =	vld [tilespmem:s0+$0xFFFFFF40]  }
0x2c4: {  	[tilespmem:s0+$0xFFFFFE30] =	vst v3;
	v3 =	vld [tilespmem:s0+$0xFFFFFE40]  }
0x2c5: {  	v2 =	vmul.f32 v2, v54;
	v11 =	vld [tilespmem:s1+$0xFFFFFE40]  }
0x2c6: {  	v9 =	vld [tilespmem:s0+$0xFFFFFEC0];
	[tilespmem:s0+$0x130] =	vst v4  }
0x2c7: {  	[tilespmem:s0+$0xFFFFFFB0] =	vst v2;
	v4 =	vld [tilespmem:s1+$0x140]  }
0x2c8: {  	v2 =	vmul.f32 v7, v5;
	v5 =	vld [tilespmem:s1+$0xFFFFFFC0]  }
0x2c9: {  	v7 =	vld [tilespmem:s1+$0x40]  }
0x2ca: {  	v6 =	vmul.f32 v6, v10;
	v10 =	vld [tilespmem:s0+$0xFFFFFE50];
	v3 =	vmul.f32 v11, v3  }
0x2cb: {  	[tilespmem:s0+$0xB0] =	vst v2;
	v11 =	vld [tilespmem:s0+$0x40]  }
0x2cc: {  	v2 =	vld [tilespmem:s1+$0xC0];
	[tilespmem:s0+$0xFFFFFE40] =	vst v3;
	v3 =	vmul.f32 v8, v9  }
0x2cd: {  	v8 =	vld [tilespmem:s0+$0x140]  }
0x2ce: {  	v9 =	vld [tilespmem:s1+$0xFFFFFE50];
	[tilespmem:s0+$0xFFFFFEC0] =	vst v3  }
0x2cf: {  	[tilespmem:s0+$0xFFFFFF40] =	vst v6;
	v3 =	vmul.f32 v5, v56;
	v5 =	vld [tilespmem:s1+$0xFFFFFED0]  }
0x2d0: {  	v6 =	vmul.f32 v7, v11;
	v7 =	vld [tilespmem:s1+$0xFFFFFF50]  }
0x2d1: {  	v11 =	vld [tilespmem:s0+$0xFFFFFF50];
	[tilespmem:s0+$0xFFFFFFC0] =	vst v3  }
0x2d2: {  	v2 =	vmul.f32 v2, v57;
	v3 =	vld [tilespmem:s1+$0xFFFFFFD0]  }
0x2d3: {  	[tilespmem:s0+$0x40] =	vst v6;
	v4 =	vmul.f32 v4, v8;
	v8 =	vld [tilespmem:s0+$0xFFFFFED0]  }
0x2d4: {  	[tilespmem:s0+$0xC0] =	vst v2;
	v6 =	vld [tilespmem:s1+$0x50]  }
0x2d5: {  	v2 =	vld [tilespmem:s1+$0xD0]  }
0x2d6: {  	v9 =	vmul.f32 v9, v10;
	v10 =	vld [tilespmem:s0+$0x50];
	[tilespmem:s0+$0x140] =	vst v4  }
0x2d7: {  	v4 =	vld [tilespmem:s1+$0x150]  }
0x2d8: {  	[tilespmem:s0+$0xFFFFFE50] =	vst v9;
	v7 =	vmul.f32 v7, v11;
	v11 =	vld [tilespmem:s0+$0xFFFFFE60]  }
0x2d9: {  	v9 =	vld [tilespmem:s1+$0xFFFFFE60]  }
0x2da: {  	v5 =	vmul.f32 v5, v8;
	v8 =	vld [tilespmem:s0+$0x150];
	[tilespmem:s0+$0xFFFFFF50] =	vst v7  }
0x2db: {  	v3 =	vmul.f32 v3, v58;
	v7 =	vld [tilespmem:s1+$0xFFFFFF60]  }
0x2dc: {  	v6 =	vmul.f32 v6, v10;
	v10 =	vld [tilespmem:s0+$0xFFFFFF60];
	[tilespmem:s0+$0xFFFFFED0] =	vst v5  }
0x2dd: {  	v2 =	vmul.f32 v2, v59;
	[tilespmem:s0+$0xFFFFFFD0] =	vst v3;
	v5 =	vld [tilespmem:s1+$0xFFFFFEE0]  }
0x2de: {  	v3 =	vld [tilespmem:s1+$0xFFFFFFE0];
	[tilespmem:s0+$0x50] =	vst v6  }
0x2df: {  	[tilespmem:s0+$0xD0] =	vst v2;
	v6 =	vld [tilespmem:s1+$0x60]  }
0x2e0: {  	v2 =	vld [tilespmem:s1+$0xE0]  }
0x2e1: {  	v9 =	vmul.f32 v9, v11;
	v4 =	vmul.f32 v4, v8;
	v8 =	vld [tilespmem:s0+$0xFFFFFEE0]  }
0x2e2: {  	v11 =	vld [tilespmem:s0+$0x60]  }
0x2e3: {  	[tilespmem:s0+$0xFFFFFE60] =	vst v9;
	v9 =	vld [tilespmem:s0+$0xFFFFFF70]  }
0x2e4: {  	v7 =	vmul.f32 v7, v10;
	[tilespmem:s0+$0x150] =	vst v4;
	v10 =	vld [tilespmem:s1+$0xFFFFFE70];
	v3 =	vmul.f32 v3, v60  }
0x2e5: {  	v4 =	vld [tilespmem:s1+$0x160]  }
0x2e6: {  	v5 =	vmul.f32 v5, v8;
	v8 =	vld [tilespmem:s0+$0x160];
	[tilespmem:s0+$0xFFFFFFE0] =	vst v3  }
0x2e7: {  	[tilespmem:s0+$0xFFFFFF60] =	vst v7;
	v3 =	vld [tilespmem:s1+$0xFFFFFFF0]  }
0x2e8: {  	v2 =	vmul.f32 v2, v61;
	[tilespmem:s0+$0xFFFFFEE0] =	vst v5;
	v5 =	vmul.f32 v6, v11;
	v6 =	vld [tilespmem:s1+$0xFFFFFF70]  }
0x2e9: {  	v11 =	vld [tilespmem:s0+$0xFFFFFEF0]  }
0x2ea: {  	[tilespmem:s0+$0xE0] =	vst v2;
	v63 =	vld [tilespmem:s1+$0xFFFFFEF0]  }
0x2eb: {  	[tilespmem:s0+$0x60] =	vst v5;
	v5 =	vld [tilespmem:s1+$0xF0]  }
0x2ec: {  	v7 =	vmul.f32 v4, v8;
	v4 =	vld [tilespmem:s1+$0x70]  }
0x2ed: {  	v1 =	vmul.f32 v10, v62;
	v8 =	vld [tilespmem:s0+$0xFFFFFFF0]  }
0x2ee: {  	[tilespmem:s0+$0x160] =	vst v7;
	v7 =	vld [tilespmem:s0+$0x70]  }
0x2ef: {  	[tilespmem:s0+$0xFFFFFE70] =	vst v1;
	v1 =	vld [tilespmem:s0+$0x170]  }
0x2f0: {  	s2 =	simm.s32 $0x0;
	s18 =	simm.s32 $0x2740;
	v2 =	vld [tilespmem:s1+$0x170];
	v10 =	vmul.f32 v63, v11  }
.LBB2_6:
0x2f1: {  	v11 =	vld [tilespmem:s18+$0x180];
	v6 =	vmul.f32 v6, v9;
	s1 =	sadd.s32 $0x400, s1  }
0x2f2: {  	s2 =	sadd.s32 $0x8, s2;
	v9 =	vld [tilespmem:s1+$0x180];
	[tilespmem:s0+$0xFFFFFEF0] =	vst v10;
	v3 =	vmul.f32 v3, v8  }
0x2f3: {  	p1 =	slt.u32 s2, $0x78;
	v8 =	vld [tilespmem:s1+$0xFFFFFE00];
	[tilespmem:s0+$0xFFFFFF70] =	vst v6;
	v4 =	vmul.f32 v4, v7  }
0x2f4: {  	v6 =	vld [tilespmem:s18+$0xFFFFFE80];
	[tilespmem:s0+$0xFFFFFFF0] =	vst v3;
	v0 =	vmul.f32 v5, v0  }
0x2f5: {  	v3 =	vld [tilespmem:s1+$0xFFFFFE80];
	[tilespmem:s0+$0x70] =	vst v4;
	v1 =	vmul.f32 v2, v1  }
0x2f6: {  	v2 =	vld [tilespmem:s18+$0xFFFFFF00];
	[tilespmem:s0+$0xF0] =	vst v0  }
0x2f7: {  	v0 =	vld [tilespmem:s1+$0xFFFFFF00];
	v4 =	vmul.f32 v9, v11;
	[tilespmem:s0+$0x170] =	vst v1;
	s0 =	smov.u32 s18  }
0x2f8: {  	v1 =	vld [tilespmem:s18+$0xFFFFFF80]  }
0x2f9: {  	[tilespmem:s18+$0x180] =	vst v4;
	v4 =	vld [tilespmem:s18+$0x190]  }
0x2fa: {  	v3 =	vmul.f32 v3, v6;
	v5 =	vld [tilespmem:s1+$0x190]  }
0x2fb: {  	v6 =	vld [tilespmem:s1+$0xFFFFFF80]  }
0x2fc: {  	[tilespmem:s18+$0xFFFFFE80] =	vst v3;
	v0 =	vmul.f32 v0, v2;
	v2 =	vld [tilespmem:s18+$0x0]  }
0x2fd: {  	v3 =	vld [tilespmem:s1+$0x0]  }
0x2fe: {  	[tilespmem:s18+$0xFFFFFF00] =	vst v0;
	v0 =	vld [tilespmem:s18+$0x80]  }
0x2ff: {  	v7 =	vld [tilespmem:s1+$0x80];
	v4 =	vmul.f32 v5, v4  }
0x300: {  	v1 =	vmul.f32 v6, v1;
	v5 =	vld [tilespmem:s18+$0x100]  }
0x301: {  	[tilespmem:s18+$0x190] =	vst v4;
	v4 =	vld [tilespmem:s18+$0x1A0]  }
0x302: {  	[tilespmem:s18+$0xFFFFFF80] =	vst v1;
	v1 =	vmul.f32 v3, v2;
	v2 =	vld [tilespmem:s1+$0x1A0]  }
0x303: {  	v3 =	vld [tilespmem:s1+$0x100]  }
0x304: {  	v6 =	vld [tilespmem:s18+$0xFFFFFE00];
	[tilespmem:s18+$0x0] =	vst v1;
	v0 =	vmul.f32 v7, v0  }
0x305: {  	v1 =	vld [tilespmem:s1+$0xFFFFFE90]  }
0x306: {  	v7 =	vld [tilespmem:s1+$0xFFFFFF10];
	[tilespmem:s18+$0x80] =	vst v0  }
0x307: {  	v0 =	vld [tilespmem:s1+$0xFFFFFF90];
	v2 =	vmul.f32 v2, v4  }
0x308: {  	v4 =	vld [tilespmem:s1+$0x10];
	v3 =	vmul.f32 v3, v5  }
0x309: {  	v5 =	vmul.f32 v8, v6;
	[tilespmem:s18+$0x1A0] =	vst v2;
	v2 =	vld [tilespmem:s18+$0x1B0]  }
0x30a: {  	[tilespmem:s18+$0x100] =	vst v3;
	v3 =	vld [tilespmem:s1+$0x1B0]  }
0x30b: {  	[tilespmem:s18+$0xFFFFFE00] =	vst v5;
	v5 =	vld [tilespmem:s1+$0x90]  }
0x30c: {  	v6 =	vld [tilespmem:s1+$0xFFFFFE10]  }
0x30d: {  	v8 =	vld [tilespmem:s1+$0x110]  }
0x30e: {  	v9 =	vld [tilespmem:s18+$0xFFFFFE10]  }
0x30f: {  	v10 =	vld [tilespmem:s18+$0xFFFFFE90];
	v2 =	vmul.f32 v3, v2  }
0x310: {  	v3 =	vld [tilespmem:s18+$0xFFFFFF10]  }
0x311: {  	[tilespmem:s18+$0x1B0] =	vst v2;
	v2 =	vld [tilespmem:s18+$0x1C0]  }
0x312: {  	v11 =	vld [tilespmem:s1+$0x1C0]  }
0x313: {  	v6 =	vmul.f32 v6, v9;
	v9 =	vld [tilespmem:s18+$0xFFFFFF90]  }
0x314: {  	v1 =	vmul.f32 v1, v10;
	v10 =	vld [tilespmem:s18+$0x10]  }
0x315: {  	[tilespmem:s18+$0xFFFFFE10] =	vst v6;
	v3 =	vmul.f32 v7, v3;
	v6 =	vld [tilespmem:s18+$0x90]  }
0x316: {  	[tilespmem:s18+$0xFFFFFE90] =	vst v1;
	v1 =	vld [tilespmem:s18+$0x110]  }
0x317: {  	v7 =	vld [tilespmem:s1+$0xFFFFFE20];
	[tilespmem:s18+$0xFFFFFF10] =	vst v3;
	v2 =	vmul.f32 v11, v2  }
0x318: {  	v3 =	vld [tilespmem:s1+$0xFFFFFEA0];
	v0 =	vmul.f32 v0, v9  }
0x319: {  	v4 =	vmul.f32 v4, v10;
	[tilespmem:s18+$0x1C0] =	vst v2;
	v2 =	vld [tilespmem:s18+$0x1D0]  }
0x31a: {  	[tilespmem:s18+$0xFFFFFF90] =	vst v0;
	v0 =	vmul.f32 v5, v6;
	v5 =	vld [tilespmem:s1+$0x1D0]  }
0x31b: {  	v6 =	vld [tilespmem:s1+$0xFFFFFF20];
	[tilespmem:s18+$0x10] =	vst v4;
	v1 =	vmul.f32 v8, v1  }
0x31c: {  	v4 =	vld [tilespmem:s1+$0xFFFFFFA0];
	[tilespmem:s18+$0x90] =	vst v0  }
0x31d: {  	v0 =	vld [tilespmem:s1+$0x20];
	[tilespmem:s18+$0x110] =	vst v1  }
0x31e: {  	v1 =	vld [tilespmem:s1+$0xA0]  }
0x31f: {  	v8 =	vld [tilespmem:s1+$0x120];
	v2 =	vmul.f32 v5, v2  }
0x320: {  	v5 =	vld [tilespmem:s18+$0xFFFFFE20]  }
0x321: {  	[tilespmem:s18+$0x1D0] =	vst v2;
	v2 =	vld [tilespmem:s18+$0x1E0]  }
0x322: {  	v9 =	vld [tilespmem:s1+$0x1E0]  }
0x323: {  	v10 =	vld [tilespmem:s18+$0xFFFFFEA0]  }
0x324: {  	v11 =	vld [tilespmem:s18+$0xFFFFFF20]  }
0x325: {  	v5 =	vmul.f32 v7, v5;
	v7 =	vld [tilespmem:s18+$0xFFFFFFA0]  }
0x326: {  	v12 =	vld [tilespmem:s18+$0x20]  }
0x327: {  	[tilespmem:s18+$0xFFFFFE20] =	vst v5;
	v5 =	vld [tilespmem:s18+$0xA0];
	v2 =	vmul.f32 v9, v2  }
0x328: {  	v3 =	vmul.f32 v3, v10;
	v9 =	vld [tilespmem:s18+$0x120]  }
0x329: {  	v6 =	vmul.f32 v6, v11;
	[tilespmem:s18+$0x1E0] =	vst v2;
	v2 =	vld [tilespmem:s18+$0x1F0]  }
0x32a: {  	[tilespmem:s18+$0xFFFFFEA0] =	vst v3;
	v3 =	vmul.f32 v4, v7;
	v4 =	vld [tilespmem:s1+$0x1F0]  }
0x32b: {  	v7 =	vld [tilespmem:s1+$0xFFFFFE30];
	[tilespmem:s18+$0xFFFFFF20] =	vst v6;
	v0 =	vmul.f32 v0, v12  }
0x32c: {  	v6 =	vld [tilespmem:s1+$0xFFFFFEB0];
	[tilespmem:s18+$0xFFFFFFA0] =	vst v3;
	v1 =	vmul.f32 v1, v5  }
0x32d: {  	v3 =	vld [tilespmem:s1+$0xFFFFFF30];
	[tilespmem:s18+$0x20] =	vst v0;
	v0 =	vmul.f32 v8, v9  }
0x32e: {  	v5 =	vld [tilespmem:s1+$0xFFFFFFB0];
	[tilespmem:s18+$0xA0] =	vst v1  }
0x32f: {  	v1 =	vld [tilespmem:s1+$0x30];
	[tilespmem:s18+$0x120] =	vst v0;
	v0 =	vmul.f32 v4, v2  }
0x330: {  	v2 =	vld [tilespmem:s1+$0xB0]  }
0x331: {  	v4 =	vld [tilespmem:s1+$0x130];
	[tilespmem:s18+$0x1F0] =	vst v0  }
0x332: {  	v0 =	vld [tilespmem:s18+$0xFFFFFE30]  }
0x333: {  	v8 =	vld [tilespmem:s18+$0xFFFFFEB0]  }
0x334: {  	v9 =	vld [tilespmem:s18+$0xFFFFFF30]  }
0x335: {  	v10 =	vld [tilespmem:s18+$0xFFFFFFB0]  }
0x336: {  	v11 =	vld [tilespmem:s18+$0x30]  }
0x337: {  	v0 =	vmul.f32 v7, v0;
	v7 =	vld [tilespmem:s18+$0xB0]  }
0x338: {  	v6 =	vmul.f32 v6, v8;
	v8 =	vld [tilespmem:s18+$0x130]  }
0x339: {  	[tilespmem:s18+$0xFFFFFE30] =	vst v0;
	v0 =	vld [tilespmem:s18+$0xFFFFFE40];
	v3 =	vmul.f32 v3, v9  }
0x33a: {  	v9 =	vld [tilespmem:s1+$0xFFFFFE40];
	[tilespmem:s18+$0xFFFFFEB0] =	vst v6;
	v5 =	vmul.f32 v5, v10  }
0x33b: {  	v6 =	vld [tilespmem:s1+$0xFFFFFEC0];
	[tilespmem:s18+$0xFFFFFF30] =	vst v3;
	v1 =	vmul.f32 v1, v11  }
0x33c: {  	v3 =	vld [tilespmem:s1+$0xFFFFFF40];
	[tilespmem:s18+$0xFFFFFFB0] =	vst v5;
	v2 =	vmul.f32 v2, v7  }
0x33d: {  	v5 =	vld [tilespmem:s1+$0xFFFFFFC0];
	[tilespmem:s18+$0x30] =	vst v1;
	v1 =	vmul.f32 v4, v8  }
0x33e: {  	v4 =	vld [tilespmem:s1+$0x40];
	[tilespmem:s18+$0xB0] =	vst v2  }
0x33f: {  	v0 =	vmul.f32 v9, v0;
	v2 =	vld [tilespmem:s1+$0xC0];
	[tilespmem:s18+$0x130] =	vst v1  }
0x340: {  	v1 =	vld [tilespmem:s1+$0x140]  }
0x341: {  	[tilespmem:s18+$0xFFFFFE40] =	vst v0;
	v0 =	vld [tilespmem:s18+$0xFFFFFEC0]  }
0x342: {  	v7 =	vld [tilespmem:s18+$0xFFFFFF40]  }
0x343: {  	v8 =	vld [tilespmem:s18+$0xFFFFFFC0]  }
0x344: {  	v9 =	vld [tilespmem:s18+$0x40]  }
0x345: {  	v10 =	vld [tilespmem:s18+$0xC0]  }
0x346: {  	v0 =	vmul.f32 v6, v0;
	v6 =	vld [tilespmem:s18+$0x140]  }
0x347: {  	v11 =	vld [tilespmem:s1+$0xFFFFFE50];
	v3 =	vmul.f32 v3, v7  }
0x348: {  	v7 =	vld [tilespmem:s18+$0xFFFFFE50];
	[tilespmem:s18+$0xFFFFFEC0] =	vst v0;
	v0 =	vmul.f32 v5, v8  }
0x349: {  	v5 =	vld [tilespmem:s1+$0xFFFFFED0];
	[tilespmem:s18+$0xFFFFFF40] =	vst v3;
	v3 =	vmul.f32 v4, v9  }
0x34a: {  	v4 =	vld [tilespmem:s1+$0xFFFFFF50];
	[tilespmem:s18+$0xFFFFFFC0] =	vst v0;
	v0 =	vmul.f32 v2, v10  }
0x34b: {  	v2 =	vld [tilespmem:s1+$0xFFFFFFD0];
	[tilespmem:s18+$0x40] =	vst v3;
	v1 =	vmul.f32 v1, v6  }
0x34c: {  	v3 =	vld [tilespmem:s1+$0x50];
	[tilespmem:s18+$0xC0] =	vst v0  }
0x34d: {  	v0 =	vmul.f32 v11, v7;
	v6 =	vld [tilespmem:s1+$0xD0];
	[tilespmem:s18+$0x140] =	vst v1  }
0x34e: {  	v1 =	vld [tilespmem:s1+$0x150]  }
0x34f: {  	[tilespmem:s18+$0xFFFFFE50] =	vst v0;
	v0 =	vld [tilespmem:s18+$0xFFFFFED0]  }
0x350: {  	v7 =	vld [tilespmem:s18+$0xFFFFFF50]  }
0x351: {  	v8 =	vld [tilespmem:s18+$0xFFFFFFD0]  }
0x352: {  	v9 =	vld [tilespmem:s18+$0x50]  }
0x353: {  	v10 =	vld [tilespmem:s18+$0xD0]  }
0x354: {  	v0 =	vmul.f32 v5, v0;
	v5 =	vld [tilespmem:s18+$0x150]  }
0x355: {  	v11 =	vld [tilespmem:s1+$0xFFFFFE60];
	v4 =	vmul.f32 v4, v7  }
0x356: {  	v7 =	vld [tilespmem:s18+$0xFFFFFE60];
	[tilespmem:s18+$0xFFFFFED0] =	vst v0;
	v0 =	vmul.f32 v2, v8  }
0x357: {  	v2 =	vld [tilespmem:s1+$0xFFFFFEE0];
	[tilespmem:s18+$0xFFFFFF50] =	vst v4;
	v3 =	vmul.f32 v3, v9  }
0x358: {  	v4 =	vld [tilespmem:s1+$0xFFFFFF60];
	[tilespmem:s18+$0xFFFFFFD0] =	vst v0;
	v0 =	vmul.f32 v6, v10  }
0x359: {  	v6 =	vld [tilespmem:s1+$0xFFFFFFE0];
	[tilespmem:s18+$0x50] =	vst v3;
	v1 =	vmul.f32 v1, v5  }
0x35a: {  	v3 =	vld [tilespmem:s1+$0x60];
	[tilespmem:s18+$0xD0] =	vst v0  }
0x35b: {  	v0 =	vmul.f32 v11, v7;
	v5 =	vld [tilespmem:s1+$0xE0];
	[tilespmem:s18+$0x150] =	vst v1  }
0x35c: {  	v1 =	vld [tilespmem:s1+$0x160]  }
0x35d: {  	[tilespmem:s18+$0xFFFFFE60] =	vst v0;
	v0 =	vld [tilespmem:s18+$0xFFFFFEE0]  }
0x35e: {  	v7 =	vld [tilespmem:s18+$0xFFFFFF60]  }
0x35f: {  	v8 =	vld [tilespmem:s18+$0xFFFFFFE0]  }
0x360: {  	v9 =	vld [tilespmem:s18+$0x60]  }
0x361: {  	v10 =	vld [tilespmem:s18+$0xE0]  }
0x362: {  	v0 =	vmul.f32 v2, v0;
	v2 =	vld [tilespmem:s18+$0x160]  }
0x363: {  	v11 =	vld [tilespmem:s1+$0xFFFFFE70];
	v4 =	vmul.f32 v4, v7  }
0x364: {  	v7 =	vld [tilespmem:s18+$0xFFFFFE70];
	[tilespmem:s18+$0xFFFFFEE0] =	vst v0;
	v0 =	vmul.f32 v6, v8  }
0x365: {  	v12 =	vld [tilespmem:s1+$0xFFFFFEF0];
	[tilespmem:s18+$0xFFFFFF60] =	vst v4;
	v4 =	vmul.f32 v3, v9  }
0x366: {  	v6 =	vld [tilespmem:s1+$0xFFFFFF70];
	[tilespmem:s18+$0xFFFFFFE0] =	vst v0;
	v0 =	vmul.f32 v5, v10  }
0x367: {  	v3 =	vld [tilespmem:s1+$0xFFFFFFF0];
	[tilespmem:s18+$0x60] =	vst v4;
	v1 =	vmul.f32 v1, v2  }
0x368: {  	v4 =	vld [tilespmem:s1+$0x70];
	[tilespmem:s18+$0xE0] =	vst v0  }
0x369: {  	v0 =	vmul.f32 v11, v7;
	v5 =	vld [tilespmem:s1+$0xF0];
	[tilespmem:s18+$0x160] =	vst v1  }
0x36a: {  	v2 =	vld [tilespmem:s1+$0x170]  }
0x36b: {  	[tilespmem:s18+$0xFFFFFE70] =	vst v0;
	v1 =	vld [tilespmem:s18+$0xFFFFFEF0]  }
.Ltmp2:
0x36c: {  	v9 =	vld [tilespmem:s18+$0xFFFFFF70];
	(pc) =	sbr.rel @p1 .LBB2_6-.Ltmp2, $4  }
0x36d: {  	v8 =	vld [tilespmem:s18+$0xFFFFFFF0]  }
0x36e: {  	v7 =	vld [tilespmem:s18+$0x70]  }
0x36f: {  	v0 =	vld [tilespmem:s18+$0xF0]  }
0x370: {  	s18 =	sadd.s32 $0x400, s18;
	v10 =	vmul.f32 v12, v1;
	v1 =	vld [tilespmem:s0+$0x170]  }
0x371: {  	v6 =	vmul.f32 v6, v9  }
0x372: {  	[tilespmem:s0+$0xFFFFFEF0] =	vst v10;
	v3 =	vmul.f32 v3, v8  }
0x373: {  	[tilespmem:s0+$0xFFFFFF70] =	vst v6;
	v4 =	vmul.f32 v4, v7  }
0x374: {  	[tilespmem:s0+$0xFFFFFFF0] =	vst v3;
	v0 =	vmul.f32 v5, v0  }
0x375: {  	[tilespmem:s0+$0x70] =	vst v4;
	v1 =	vmul.f32 v2, v1  }
0x376: {  	[tilespmem:s0+$0xF0] =	vst v0  }
0x377: {  	[tilespmem:s0+$0x170] =	vst v1  }
0x378: {  	_ =	strace $0x90000054  }
0x379: {  	[hbm4b:s14+s4] =	stream.linear.scatter [tilespmem:s20], [sflag:$0x5], $0x4000, $0x38;
	[tilespmem:$0x12140] =	vst v63  }
0x37a: {  	_ =	strace $0x80000055  }
0x37b: {  	_ =	swait.ge [sflag:s29], $0x4000  }
0x37c: {  	[sflag:s29] =	ssyncset.done $0x0  }
0x37d: {  	[sflag:s29] =	ssyncadd.s32 $0xFFFFC000  }
0x37e: {  	_ =	strace $0x90000055  }
0x37f: {  	_ =	strace $0x80000056  }
0x380: {  	_ =	swait.ge [sflag:s30], $0x4000  }
0x381: {  	[sflag:s30] =	ssyncset.done $0x0  }
0x382: {  	[sflag:s30] =	ssyncadd.s32 $0xFFFFC000  }
0x383: {  	_ =	strace $0x90000056  }
0x384: {  	s0 =	simm.s32 $0x6340;
	_ =	strace $0x80000057  }
0x385: {  	s1 =	simm.s32 $0xE340;
	v0 =	vld [tilespmem:s0+$0x180]  }
0x386: {  	v1 =	vld [tilespmem:s1+$0x180]  }
0x387: {  	v2 =	vld [tilespmem:s1+$0xFFFFFE00]  }
0x388: {  	v3 =	vld [tilespmem:s0+$0xFFFFFE80]  }
0x389: {  	v4 =	vld [tilespmem:s1+$0xFFFFFE80]  }
0x38a: {  	v5 =	vld [tilespmem:s0+$0xFFFFFF00]  }
0x38b: {  	v6 =	vld [tilespmem:s1+$0xFFFFFF00]  }
0x38c: {  	v7 =	vld [tilespmem:s1+$0xFFFFFF80]  }
0x38d: {  	v9 =	vld [tilespmem:s0+$0x0]  }
0x38e: {  	v10 =	vld [tilespmem:s1+$0x0]  }
0x38f: {  	v11 =	vld [tilespmem:s0+$0x80]  }
0x390: {  	v12 =	vld [tilespmem:s1+$0x80]  }
0x391: {  	v13 =	vld [tilespmem:s0+$0x100]  }
0x392: {  	v50 =	vld [tilespmem:s0+$0xFFFFFF90]  }
0x393: {  	v51 =	vld [tilespmem:s0+$0x10]  }
0x394: {  	v52 =	vld [tilespmem:s0+$0xFFFFFFA0]  }
0x395: {  	v53 =	vld [tilespmem:s0+$0x20]  }
0x396: {  	v14 =	vld [tilespmem:s0+$0xA0];
	v0 =	vmul.f32 v1, v0  }
0x397: {  	v54 =	vld [tilespmem:s0+$0xFFFFFFB0]  }
0x398: {  	[tilespmem:s0+$0x180] =	vst v0;
	v0 =	vld [tilespmem:s0+$0x190]  }
0x399: {  	v1 =	vld [tilespmem:s1+$0x190]  }
0x39a: {  	v55 =	vld [tilespmem:s0+$0x30]  }
0x39b: {  	v56 =	vld [tilespmem:s0+$0xFFFFFFC0]  }
0x39c: {  	v57 =	vld [tilespmem:s0+$0xC0]  }
0x39d: {  	v58 =	vld [tilespmem:s0+$0xFFFFFFD0]  }
0x39e: {  	v59 =	vld [tilespmem:s0+$0xD0];
	v0 =	vmul.f32 v1, v0  }
0x39f: {  	v1 =	vld [tilespmem:s0+$0xFFFFFF80]  }
0x3a0: {  	[tilespmem:s0+$0x190] =	vst v0;
	v0 =	vld [tilespmem:s0+$0x1A0]  }
0x3a1: {  	v8 =	vld [tilespmem:s1+$0x1A0]  }
0x3a2: {  	v60 =	vld [tilespmem:s0+$0xFFFFFFE0]  }
0x3a3: {  	v61 =	vld [tilespmem:s0+$0xE0]  }
0x3a4: {  	v62 =	vld [tilespmem:s0+$0xFFFFFE70];
	v1 =	vmul.f32 v7, v1  }
0x3a5: {  	v3 =	vmul.f32 v4, v3;
	v4 =	vld [tilespmem:s0+$0xFFFFFE00]  }
0x3a6: {  	[tilespmem:s0+$0xFFFFFF80] =	vst v1;
	v1 =	vmul.f32 v12, v11;
	v11 =	vld [tilespmem:s0+$0xFFFFFF10];
	v0 =	vmul.f32 v8, v0  }
0x3a7: {  	[tilespmem:s0+$0xFFFFFE80] =	vst v3;
	v8 =	vld [tilespmem:s1+$0x100]  }
0x3a8: {  	[tilespmem:s0+$0x1A0] =	vst v0;
	v0 =	vmul.f32 v6, v5;
	v5 =	vld [tilespmem:s0+$0x1B0]  }
0x3a9: {  	v6 =	vld [tilespmem:s1+$0xFFFFFE90]  }
0x3aa: {  	v2 =	vmul.f32 v2, v4;
	v3 =	vld [tilespmem:s1+$0x1B0]  }
0x3ab: {  	[tilespmem:s0+$0xFFFFFF00] =	vst v0;
	v0 =	vmul.f32 v10, v9;
	v9 =	vld [tilespmem:s0+$0xFFFFFE10]  }
0x3ac: {  	[tilespmem:s0+$0xFFFFFE00] =	vst v2;
	v7 =	vld [tilespmem:s1+$0xFFFFFF10];
	v4 =	vmul.f32 v8, v13  }
0x3ad: {  	[tilespmem:s0+$0x0] =	vst v0;
	v0 =	vld [tilespmem:s1+$0xFFFFFF90]  }
0x3ae: {  	[tilespmem:s0+$0x100] =	vst v4;
	v4 =	vld [tilespmem:s1+$0xFFFFFE10]  }
0x3af: {  	[tilespmem:s0+$0x80] =	vst v1;
	v1 =	vld [tilespmem:s1+$0x10];
	v3 =	vmul.f32 v3, v5  }
0x3b0: {  	v5 =	vld [tilespmem:s1+$0x110]  }
0x3b1: {  	[tilespmem:s0+$0x1B0] =	vst v3;
	v3 =	vld [tilespmem:s0+$0x1C0]  }
0x3b2: {  	v8 =	vld [tilespmem:s1+$0x1C0]  }
0x3b3: {  	v4 =	vmul.f32 v4, v9;
	v9 =	vld [tilespmem:s0+$0x110]  }
0x3b4: {  	v2 =	vld [tilespmem:s1+$0x90]  }
0x3b5: {  	v10 =	vld [tilespmem:s0+$0xFFFFFE90];
	v0 =	vmul.f32 v0, v50  }
0x3b6: {  	v1 =	vmul.f32 v1, v51;
	[tilespmem:s0+$0xFFFFFE10] =	vst v4;
	v4 =	vmul.f32 v7, v11;
	v11 =	vld [tilespmem:s0+$0xFFFFFF20]  }
0x3b7: {  	[tilespmem:s0+$0xFFFFFF90] =	vst v0;
	v3 =	vmul.f32 v8, v3;
	v8 =	vld [tilespmem:s0+$0x90]  }
0x3b8: {  	[tilespmem:s0+$0x10] =	vst v1;
	v1 =	vmul.f32 v5, v9;
	v5 =	vld [tilespmem:s1+$0xFFFFFFA0]  }
0x3b9: {  	v9 =	vld [tilespmem:s0+$0xFFFFFE20]  }
0x3ba: {  	[tilespmem:s0+$0x1C0] =	vst v3;
	v3 =	vmul.f32 v6, v10;
	v6 =	vld [tilespmem:s0+$0x1D0]  }
0x3bb: {  	v10 =	vld [tilespmem:s0+$0xFFFFFEA0]  }
0x3bc: {  	v7 =	vld [tilespmem:s1+$0x1D0]  }
0x3bd: {  	[tilespmem:s0+$0xFFFFFE90] =	vst v3;
	v3 =	vld [tilespmem:s1+$0xFFFFFE20]  }
0x3be: {  	[tilespmem:s0+$0xFFFFFF10] =	vst v4;
	v4 =	vld [tilespmem:s1+$0xFFFFFEA0];
	v0 =	vmul.f32 v2, v8  }
0x3bf: {  	v2 =	vld [tilespmem:s1+$0xFFFFFF20]  }
0x3c0: {  	v8 =	vld [tilespmem:s1+$0x20];
	[tilespmem:s0+$0x90] =	vst v0  }
0x3c1: {  	[tilespmem:s0+$0x110] =	vst v1;
	v0 =	vmul.f32 v7, v6;
	v6 =	vld [tilespmem:s1+$0xA0]  }
0x3c2: {  	v7 =	vld [tilespmem:s1+$0x120]  }
0x3c3: {  	[tilespmem:s0+$0x1D0] =	vst v0;
	v0 =	vld [tilespmem:s0+$0x1E0]  }
0x3c4: {  	v4 =	vmul.f32 v4, v10;
	v10 =	vld [tilespmem:s0+$0xFFFFFEB0]  }
0x3c5: {  	v2 =	vmul.f32 v2, v11;
	v1 =	vld [tilespmem:s1+$0x1E0]  }
0x3c6: {  	v11 =	vld [tilespmem:s0+$0xFFFFFF30];
	[tilespmem:s0+$0xFFFFFEA0] =	vst v4;
	v4 =	vmul.f32 v5, v52  }
0x3c7: {  	[tilespmem:s0+$0xFFFFFF20] =	vst v2;
	v2 =	vmul.f32 v8, v53;
	v8 =	vld [tilespmem:s1+$0xFFFFFEB0]  }
0x3c8: {  	[tilespmem:s0+$0xFFFFFFA0] =	vst v4;
	v4 =	vmul.f32 v6, v14;
	v6 =	vld [tilespmem:s1+$0xFFFFFF30]  }
0x3c9: {  	[tilespmem:s0+$0x20] =	vst v2;
	v2 =	vld [tilespmem:s1+$0xFFFFFFB0]  }
0x3ca: {  	v0 =	vmul.f32 v1, v0;
	v1 =	vmul.f32 v3, v9;
	v3 =	vld [tilespmem:s0+$0x120]  }
0x3cb: {  	[tilespmem:s0+$0xA0] =	vst v4;
	v4 =	vld [tilespmem:s1+$0x30]  }
0x3cc: {  	[tilespmem:s0+$0x1E0] =	vst v0;
	v0 =	vld [tilespmem:s0+$0x1F0]  }
0x3cd: {  	v8 =	vmul.f32 v8, v10;
	v10 =	vld [tilespmem:s0+$0x130]  }
0x3ce: {  	[tilespmem:s0+$0xFFFFFE20] =	vst v1;
	v1 =	vld [tilespmem:s1+$0x1F0]  }
0x3cf: {  	v5 =	vld [tilespmem:s1+$0xFFFFFE30];
	v3 =	vmul.f32 v7, v3  }
0x3d0: {  	v7 =	vld [tilespmem:s1+$0xB0]  }
0x3d1: {  	v6 =	vmul.f32 v6, v11;
	[tilespmem:s0+$0x120] =	vst v3;
	v3 =	vld [tilespmem:s0+$0xFFFFFE30]  }
0x3d2: {  	[tilespmem:s0+$0xFFFFFEB0] =	vst v8;
	v9 =	vld [tilespmem:s1+$0x130]  }
0x3d3: {  	v8 =	vld [tilespmem:s1+$0xFFFFFEC0];
	[tilespmem:s0+$0xFFFFFF30] =	vst v6;
	v0 =	vmul.f32 v1, v0  }
0x3d4: {  	v6 =	vld [tilespmem:s1+$0xFFFFFF40]  }
0x3d5: {  	v4 =	vmul.f32 v4, v55;
	[tilespmem:s0+$0x1F0] =	vst v0;
	v0 =	vld [tilespmem:s0+$0xF0]  }
0x3d6: {  	v3 =	vmul.f32 v5, v3;
	v5 =	vld [tilespmem:s0+$0xB0]  }
0x3d7: {  	[tilespmem:s0+$0x30] =	vst v4;
	v4 =	vmul.f32 v9, v10;
	v10 =	vld [tilespmem:s0+$0xFFFFFF40]  }
0x3d8: {  	[tilespmem:s0+$0xFFFFFE30] =	vst v3;
	v3 =	vld [tilespmem:s0+$0xFFFFFE40]  }
0x3d9: {  	v2 =	vmul.f32 v2, v54;
	v11 =	vld [tilespmem:s1+$0xFFFFFE40]  }
0x3da: {  	v9 =	vld [tilespmem:s0+$0xFFFFFEC0];
	[tilespmem:s0+$0x130] =	vst v4  }
0x3db: {  	[tilespmem:s0+$0xFFFFFFB0] =	vst v2;
	v4 =	vld [tilespmem:s1+$0x140]  }
0x3dc: {  	v2 =	vmul.f32 v7, v5;
	v5 =	vld [tilespmem:s1+$0xFFFFFFC0]  }
0x3dd: {  	v7 =	vld [tilespmem:s1+$0x40]  }
0x3de: {  	v6 =	vmul.f32 v6, v10;
	v10 =	vld [tilespmem:s0+$0xFFFFFE50];
	v3 =	vmul.f32 v11, v3  }
0x3df: {  	[tilespmem:s0+$0xB0] =	vst v2;
	v11 =	vld [tilespmem:s0+$0x40]  }
0x3e0: {  	v2 =	vld [tilespmem:s1+$0xC0];
	[tilespmem:s0+$0xFFFFFE40] =	vst v3;
	v3 =	vmul.f32 v8, v9  }
0x3e1: {  	v8 =	vld [tilespmem:s0+$0x140]  }
0x3e2: {  	v9 =	vld [tilespmem:s1+$0xFFFFFE50];
	[tilespmem:s0+$0xFFFFFEC0] =	vst v3  }
0x3e3: {  	[tilespmem:s0+$0xFFFFFF40] =	vst v6;
	v3 =	vmul.f32 v5, v56;
	v5 =	vld [tilespmem:s1+$0xFFFFFED0]  }
0x3e4: {  	v6 =	vmul.f32 v7, v11;
	v7 =	vld [tilespmem:s1+$0xFFFFFF50]  }
0x3e5: {  	v11 =	vld [tilespmem:s0+$0xFFFFFF50];
	[tilespmem:s0+$0xFFFFFFC0] =	vst v3  }
0x3e6: {  	v2 =	vmul.f32 v2, v57;
	v3 =	vld [tilespmem:s1+$0xFFFFFFD0]  }
0x3e7: {  	[tilespmem:s0+$0x40] =	vst v6;
	v4 =	vmul.f32 v4, v8;
	v8 =	vld [tilespmem:s0+$0xFFFFFED0]  }
0x3e8: {  	[tilespmem:s0+$0xC0] =	vst v2;
	v6 =	vld [tilespmem:s1+$0x50]  }
0x3e9: {  	v2 =	vld [tilespmem:s1+$0xD0]  }
0x3ea: {  	v9 =	vmul.f32 v9, v10;
	v10 =	vld [tilespmem:s0+$0x50];
	[tilespmem:s0+$0x140] =	vst v4  }
0x3eb: {  	v4 =	vld [tilespmem:s1+$0x150]  }
0x3ec: {  	[tilespmem:s0+$0xFFFFFE50] =	vst v9;
	v7 =	vmul.f32 v7, v11;
	v11 =	vld [tilespmem:s0+$0xFFFFFE60]  }
0x3ed: {  	v9 =	vld [tilespmem:s1+$0xFFFFFE60]  }
0x3ee: {  	v5 =	vmul.f32 v5, v8;
	v8 =	vld [tilespmem:s0+$0x150];
	[tilespmem:s0+$0xFFFFFF50] =	vst v7  }
0x3ef: {  	v3 =	vmul.f32 v3, v58;
	v7 =	vld [tilespmem:s1+$0xFFFFFF60]  }
0x3f0: {  	v6 =	vmul.f32 v6, v10;
	v10 =	vld [tilespmem:s0+$0xFFFFFF60];
	[tilespmem:s0+$0xFFFFFED0] =	vst v5  }
0x3f1: {  	v2 =	vmul.f32 v2, v59;
	[tilespmem:s0+$0xFFFFFFD0] =	vst v3;
	v5 =	vld [tilespmem:s1+$0xFFFFFEE0]  }
0x3f2: {  	v3 =	vld [tilespmem:s1+$0xFFFFFFE0];
	[tilespmem:s0+$0x50] =	vst v6  }
0x3f3: {  	[tilespmem:s0+$0xD0] =	vst v2;
	v6 =	vld [tilespmem:s1+$0x60]  }
0x3f4: {  	v2 =	vld [tilespmem:s1+$0xE0]  }
0x3f5: {  	v9 =	vmul.f32 v9, v11;
	v4 =	vmul.f32 v4, v8;
	v8 =	vld [tilespmem:s0+$0xFFFFFEE0]  }
0x3f6: {  	v11 =	vld [tilespmem:s0+$0x60]  }
0x3f7: {  	[tilespmem:s0+$0xFFFFFE60] =	vst v9;
	v9 =	vld [tilespmem:s0+$0xFFFFFF70]  }
0x3f8: {  	v7 =	vmul.f32 v7, v10;
	[tilespmem:s0+$0x150] =	vst v4;
	v10 =	vld [tilespmem:s1+$0xFFFFFE70];
	v3 =	vmul.f32 v3, v60  }
0x3f9: {  	v4 =	vld [tilespmem:s1+$0x160]  }
0x3fa: {  	v5 =	vmul.f32 v5, v8;
	v8 =	vld [tilespmem:s0+$0x160];
	[tilespmem:s0+$0xFFFFFFE0] =	vst v3  }
0x3fb: {  	[tilespmem:s0+$0xFFFFFF60] =	vst v7;
	v3 =	vld [tilespmem:s1+$0xFFFFFFF0]  }
0x3fc: {  	v2 =	vmul.f32 v2, v61;
	[tilespmem:s0+$0xFFFFFEE0] =	vst v5;
	v5 =	vmul.f32 v6, v11;
	v6 =	vld [tilespmem:s1+$0xFFFFFF70]  }
0x3fd: {  	v11 =	vld [tilespmem:s0+$0xFFFFFEF0]  }
0x3fe: {  	[tilespmem:s0+$0xE0] =	vst v2;
	v63 =	vld [tilespmem:s1+$0xFFFFFEF0]  }
0x3ff: {  	[tilespmem:s0+$0x60] =	vst v5;
	v5 =	vld [tilespmem:s1+$0xF0]  }
0x400: {  	v7 =	vmul.f32 v4, v8;
	v4 =	vld [tilespmem:s1+$0x70]  }
0x401: {  	v1 =	vmul.f32 v10, v62;
	v8 =	vld [tilespmem:s0+$0xFFFFFFF0]  }
0x402: {  	[tilespmem:s0+$0x160] =	vst v7;
	v7 =	vld [tilespmem:s0+$0x70]  }
0x403: {  	[tilespmem:s0+$0xFFFFFE70] =	vst v1;
	v1 =	vld [tilespmem:s0+$0x170]  }
0x404: {  	s2 =	simm.s32 $0x0;
	s18 =	simm.s32 $0x6740;
	v2 =	vld [tilespmem:s1+$0x170];
	v10 =	vmul.f32 v63, v11  }
.LBB2_8:
0x405: {  	v11 =	vld [tilespmem:s18+$0x180];
	v6 =	vmul.f32 v6, v9;
	s1 =	sadd.s32 $0x400, s1  }
0x406: {  	s2 =	sadd.s32 $0x8, s2;
	v9 =	vld [tilespmem:s1+$0x180];
	[tilespmem:s0+$0xFFFFFEF0] =	vst v10;
	v3 =	vmul.f32 v3, v8  }
0x407: {  	p1 =	slt.u32 s2, $0x78;
	v8 =	vld [tilespmem:s1+$0xFFFFFE00];
	[tilespmem:s0+$0xFFFFFF70] =	vst v6;
	v4 =	vmul.f32 v4, v7  }
0x408: {  	v6 =	vld [tilespmem:s18+$0xFFFFFE80];
	[tilespmem:s0+$0xFFFFFFF0] =	vst v3;
	v0 =	vmul.f32 v5, v0  }
0x409: {  	v3 =	vld [tilespmem:s1+$0xFFFFFE80];
	[tilespmem:s0+$0x70] =	vst v4;
	v1 =	vmul.f32 v2, v1  }
0x40a: {  	v2 =	vld [tilespmem:s18+$0xFFFFFF00];
	[tilespmem:s0+$0xF0] =	vst v0  }
0x40b: {  	v0 =	vld [tilespmem:s1+$0xFFFFFF00];
	v4 =	vmul.f32 v9, v11;
	[tilespmem:s0+$0x170] =	vst v1;
	s0 =	smov.u32 s18  }
0x40c: {  	v1 =	vld [tilespmem:s18+$0xFFFFFF80]  }
0x40d: {  	[tilespmem:s18+$0x180] =	vst v4;
	v4 =	vld [tilespmem:s18+$0x190]  }
0x40e: {  	v3 =	vmul.f32 v3, v6;
	v5 =	vld [tilespmem:s1+$0x190]  }
0x40f: {  	v6 =	vld [tilespmem:s1+$0xFFFFFF80]  }
0x410: {  	[tilespmem:s18+$0xFFFFFE80] =	vst v3;
	v0 =	vmul.f32 v0, v2;
	v2 =	vld [tilespmem:s18+$0x0]  }
0x411: {  	v3 =	vld [tilespmem:s1+$0x0]  }
0x412: {  	[tilespmem:s18+$0xFFFFFF00] =	vst v0;
	v0 =	vld [tilespmem:s18+$0x80]  }
0x413: {  	v7 =	vld [tilespmem:s1+$0x80];
	v4 =	vmul.f32 v5, v4  }
0x414: {  	v1 =	vmul.f32 v6, v1;
	v5 =	vld [tilespmem:s18+$0x100]  }
0x415: {  	[tilespmem:s18+$0x190] =	vst v4;
	v4 =	vld [tilespmem:s18+$0x1A0]  }
0x416: {  	[tilespmem:s18+$0xFFFFFF80] =	vst v1;
	v1 =	vmul.f32 v3, v2;
	v2 =	vld [tilespmem:s1+$0x1A0]  }
0x417: {  	v3 =	vld [tilespmem:s1+$0x100]  }
0x418: {  	v6 =	vld [tilespmem:s18+$0xFFFFFE00];
	[tilespmem:s18+$0x0] =	vst v1;
	v0 =	vmul.f32 v7, v0  }
0x419: {  	v1 =	vld [tilespmem:s1+$0xFFFFFE90]  }
0x41a: {  	v7 =	vld [tilespmem:s1+$0xFFFFFF10];
	[tilespmem:s18+$0x80] =	vst v0  }
0x41b: {  	v0 =	vld [tilespmem:s1+$0xFFFFFF90];
	v2 =	vmul.f32 v2, v4  }
0x41c: {  	v4 =	vld [tilespmem:s1+$0x10];
	v3 =	vmul.f32 v3, v5  }
0x41d: {  	v5 =	vmul.f32 v8, v6;
	[tilespmem:s18+$0x1A0] =	vst v2;
	v2 =	vld [tilespmem:s18+$0x1B0]  }
0x41e: {  	[tilespmem:s18+$0x100] =	vst v3;
	v3 =	vld [tilespmem:s1+$0x1B0]  }
0x41f: {  	[tilespmem:s18+$0xFFFFFE00] =	vst v5;
	v5 =	vld [tilespmem:s1+$0x90]  }
0x420: {  	v6 =	vld [tilespmem:s1+$0xFFFFFE10]  }
0x421: {  	v8 =	vld [tilespmem:s1+$0x110]  }
0x422: {  	v9 =	vld [tilespmem:s18+$0xFFFFFE10]  }
0x423: {  	v10 =	vld [tilespmem:s18+$0xFFFFFE90];
	v2 =	vmul.f32 v3, v2  }
0x424: {  	v3 =	vld [tilespmem:s18+$0xFFFFFF10]  }
0x425: {  	[tilespmem:s18+$0x1B0] =	vst v2;
	v2 =	vld [tilespmem:s18+$0x1C0]  }
0x426: {  	v11 =	vld [tilespmem:s1+$0x1C0]  }
0x427: {  	v6 =	vmul.f32 v6, v9;
	v9 =	vld [tilespmem:s18+$0xFFFFFF90]  }
0x428: {  	v1 =	vmul.f32 v1, v10;
	v10 =	vld [tilespmem:s18+$0x10]  }
0x429: {  	[tilespmem:s18+$0xFFFFFE10] =	vst v6;
	v3 =	vmul.f32 v7, v3;
	v6 =	vld [tilespmem:s18+$0x90]  }
0x42a: {  	[tilespmem:s18+$0xFFFFFE90] =	vst v1;
	v1 =	vld [tilespmem:s18+$0x110]  }
0x42b: {  	v7 =	vld [tilespmem:s1+$0xFFFFFE20];
	[tilespmem:s18+$0xFFFFFF10] =	vst v3;
	v2 =	vmul.f32 v11, v2  }
0x42c: {  	v3 =	vld [tilespmem:s1+$0xFFFFFEA0];
	v0 =	vmul.f32 v0, v9  }
0x42d: {  	v4 =	vmul.f32 v4, v10;
	[tilespmem:s18+$0x1C0] =	vst v2;
	v2 =	vld [tilespmem:s18+$0x1D0]  }
0x42e: {  	[tilespmem:s18+$0xFFFFFF90] =	vst v0;
	v0 =	vmul.f32 v5, v6;
	v5 =	vld [tilespmem:s1+$0x1D0]  }
0x42f: {  	v6 =	vld [tilespmem:s1+$0xFFFFFF20];
	[tilespmem:s18+$0x10] =	vst v4;
	v1 =	vmul.f32 v8, v1  }
0x430: {  	v4 =	vld [tilespmem:s1+$0xFFFFFFA0];
	[tilespmem:s18+$0x90] =	vst v0  }
0x431: {  	v0 =	vld [tilespmem:s1+$0x20];
	[tilespmem:s18+$0x110] =	vst v1  }
0x432: {  	v1 =	vld [tilespmem:s1+$0xA0]  }
0x433: {  	v8 =	vld [tilespmem:s1+$0x120];
	v2 =	vmul.f32 v5, v2  }
0x434: {  	v5 =	vld [tilespmem:s18+$0xFFFFFE20]  }
0x435: {  	[tilespmem:s18+$0x1D0] =	vst v2;
	v2 =	vld [tilespmem:s18+$0x1E0]  }
0x436: {  	v9 =	vld [tilespmem:s1+$0x1E0]  }
0x437: {  	v10 =	vld [tilespmem:s18+$0xFFFFFEA0]  }
0x438: {  	v11 =	vld [tilespmem:s18+$0xFFFFFF20]  }
0x439: {  	v5 =	vmul.f32 v7, v5;
	v7 =	vld [tilespmem:s18+$0xFFFFFFA0]  }
0x43a: {  	v12 =	vld [tilespmem:s18+$0x20]  }
0x43b: {  	[tilespmem:s18+$0xFFFFFE20] =	vst v5;
	v5 =	vld [tilespmem:s18+$0xA0];
	v2 =	vmul.f32 v9, v2  }
0x43c: {  	v3 =	vmul.f32 v3, v10;
	v9 =	vld [tilespmem:s18+$0x120]  }
0x43d: {  	v6 =	vmul.f32 v6, v11;
	[tilespmem:s18+$0x1E0] =	vst v2;
	v2 =	vld [tilespmem:s18+$0x1F0]  }
0x43e: {  	[tilespmem:s18+$0xFFFFFEA0] =	vst v3;
	v3 =	vmul.f32 v4, v7;
	v4 =	vld [tilespmem:s1+$0x1F0]  }
0x43f: {  	v7 =	vld [tilespmem:s1+$0xFFFFFE30];
	[tilespmem:s18+$0xFFFFFF20] =	vst v6;
	v0 =	vmul.f32 v0, v12  }
0x440: {  	v6 =	vld [tilespmem:s1+$0xFFFFFEB0];
	[tilespmem:s18+$0xFFFFFFA0] =	vst v3;
	v1 =	vmul.f32 v1, v5  }
0x441: {  	v3 =	vld [tilespmem:s1+$0xFFFFFF30];
	[tilespmem:s18+$0x20] =	vst v0;
	v0 =	vmul.f32 v8, v9  }
0x442: {  	v5 =	vld [tilespmem:s1+$0xFFFFFFB0];
	[tilespmem:s18+$0xA0] =	vst v1  }
0x443: {  	v1 =	vld [tilespmem:s1+$0x30];
	[tilespmem:s18+$0x120] =	vst v0;
	v0 =	vmul.f32 v4, v2  }
0x444: {  	v2 =	vld [tilespmem:s1+$0xB0]  }
0x445: {  	v4 =	vld [tilespmem:s1+$0x130];
	[tilespmem:s18+$0x1F0] =	vst v0  }
0x446: {  	v0 =	vld [tilespmem:s18+$0xFFFFFE30]  }
0x447: {  	v8 =	vld [tilespmem:s18+$0xFFFFFEB0]  }
0x448: {  	v9 =	vld [tilespmem:s18+$0xFFFFFF30]  }
0x449: {  	v10 =	vld [tilespmem:s18+$0xFFFFFFB0]  }
0x44a: {  	v11 =	vld [tilespmem:s18+$0x30]  }
0x44b: {  	v0 =	vmul.f32 v7, v0;
	v7 =	vld [tilespmem:s18+$0xB0]  }
0x44c: {  	v6 =	vmul.f32 v6, v8;
	v8 =	vld [tilespmem:s18+$0x130]  }
0x44d: {  	[tilespmem:s18+$0xFFFFFE30] =	vst v0;
	v0 =	vld [tilespmem:s18+$0xFFFFFE40];
	v3 =	vmul.f32 v3, v9  }
0x44e: {  	v9 =	vld [tilespmem:s1+$0xFFFFFE40];
	[tilespmem:s18+$0xFFFFFEB0] =	vst v6;
	v5 =	vmul.f32 v5, v10  }
0x44f: {  	v6 =	vld [tilespmem:s1+$0xFFFFFEC0];
	[tilespmem:s18+$0xFFFFFF30] =	vst v3;
	v1 =	vmul.f32 v1, v11  }
0x450: {  	v3 =	vld [tilespmem:s1+$0xFFFFFF40];
	[tilespmem:s18+$0xFFFFFFB0] =	vst v5;
	v2 =	vmul.f32 v2, v7  }
0x451: {  	v5 =	vld [tilespmem:s1+$0xFFFFFFC0];
	[tilespmem:s18+$0x30] =	vst v1;
	v1 =	vmul.f32 v4, v8  }
0x452: {  	v4 =	vld [tilespmem:s1+$0x40];
	[tilespmem:s18+$0xB0] =	vst v2  }
0x453: {  	v0 =	vmul.f32 v9, v0;
	v2 =	vld [tilespmem:s1+$0xC0];
	[tilespmem:s18+$0x130] =	vst v1  }
0x454: {  	v1 =	vld [tilespmem:s1+$0x140]  }
0x455: {  	[tilespmem:s18+$0xFFFFFE40] =	vst v0;
	v0 =	vld [tilespmem:s18+$0xFFFFFEC0]  }
0x456: {  	v7 =	vld [tilespmem:s18+$0xFFFFFF40]  }
0x457: {  	v8 =	vld [tilespmem:s18+$0xFFFFFFC0]  }
0x458: {  	v9 =	vld [tilespmem:s18+$0x40]  }
0x459: {  	v10 =	vld [tilespmem:s18+$0xC0]  }
0x45a: {  	v0 =	vmul.f32 v6, v0;
	v6 =	vld [tilespmem:s18+$0x140]  }
0x45b: {  	v11 =	vld [tilespmem:s1+$0xFFFFFE50];
	v3 =	vmul.f32 v3, v7  }
0x45c: {  	v7 =	vld [tilespmem:s18+$0xFFFFFE50];
	[tilespmem:s18+$0xFFFFFEC0] =	vst v0;
	v0 =	vmul.f32 v5, v8  }
0x45d: {  	v5 =	vld [tilespmem:s1+$0xFFFFFED0];
	[tilespmem:s18+$0xFFFFFF40] =	vst v3;
	v3 =	vmul.f32 v4, v9  }
0x45e: {  	v4 =	vld [tilespmem:s1+$0xFFFFFF50];
	[tilespmem:s18+$0xFFFFFFC0] =	vst v0;
	v0 =	vmul.f32 v2, v10  }
0x45f: {  	v2 =	vld [tilespmem:s1+$0xFFFFFFD0];
	[tilespmem:s18+$0x40] =	vst v3;
	v1 =	vmul.f32 v1, v6  }
0x460: {  	v3 =	vld [tilespmem:s1+$0x50];
	[tilespmem:s18+$0xC0] =	vst v0  }
0x461: {  	v0 =	vmul.f32 v11, v7;
	v6 =	vld [tilespmem:s1+$0xD0];
	[tilespmem:s18+$0x140] =	vst v1  }
0x462: {  	v1 =	vld [tilespmem:s1+$0x150]  }
0x463: {  	[tilespmem:s18+$0xFFFFFE50] =	vst v0;
	v0 =	vld [tilespmem:s18+$0xFFFFFED0]  }
0x464: {  	v7 =	vld [tilespmem:s18+$0xFFFFFF50]  }
0x465: {  	v8 =	vld [tilespmem:s18+$0xFFFFFFD0]  }
0x466: {  	v9 =	vld [tilespmem:s18+$0x50]  }
0x467: {  	v10 =	vld [tilespmem:s18+$0xD0]  }
0x468: {  	v0 =	vmul.f32 v5, v0;
	v5 =	vld [tilespmem:s18+$0x150]  }
0x469: {  	v11 =	vld [tilespmem:s1+$0xFFFFFE60];
	v4 =	vmul.f32 v4, v7  }
0x46a: {  	v7 =	vld [tilespmem:s18+$0xFFFFFE60];
	[tilespmem:s18+$0xFFFFFED0] =	vst v0;
	v0 =	vmul.f32 v2, v8  }
0x46b: {  	v2 =	vld [tilespmem:s1+$0xFFFFFEE0];
	[tilespmem:s18+$0xFFFFFF50] =	vst v4;
	v3 =	vmul.f32 v3, v9  }
0x46c: {  	v4 =	vld [tilespmem:s1+$0xFFFFFF60];
	[tilespmem:s18+$0xFFFFFFD0] =	vst v0;
	v0 =	vmul.f32 v6, v10  }
0x46d: {  	v6 =	vld [tilespmem:s1+$0xFFFFFFE0];
	[tilespmem:s18+$0x50] =	vst v3;
	v1 =	vmul.f32 v1, v5  }
0x46e: {  	v3 =	vld [tilespmem:s1+$0x60];
	[tilespmem:s18+$0xD0] =	vst v0  }
0x46f: {  	v0 =	vmul.f32 v11, v7;
	v5 =	vld [tilespmem:s1+$0xE0];
	[tilespmem:s18+$0x150] =	vst v1  }
0x470: {  	v1 =	vld [tilespmem:s1+$0x160]  }
0x471: {  	[tilespmem:s18+$0xFFFFFE60] =	vst v0;
	v0 =	vld [tilespmem:s18+$0xFFFFFEE0]  }
0x472: {  	v7 =	vld [tilespmem:s18+$0xFFFFFF60]  }
0x473: {  	v8 =	vld [tilespmem:s18+$0xFFFFFFE0]  }
0x474: {  	v9 =	vld [tilespmem:s18+$0x60]  }
0x475: {  	v10 =	vld [tilespmem:s18+$0xE0]  }
0x476: {  	v0 =	vmul.f32 v2, v0;
	v2 =	vld [tilespmem:s18+$0x160]  }
0x477: {  	v11 =	vld [tilespmem:s1+$0xFFFFFE70];
	v4 =	vmul.f32 v4, v7  }
0x478: {  	v7 =	vld [tilespmem:s18+$0xFFFFFE70];
	[tilespmem:s18+$0xFFFFFEE0] =	vst v0;
	v0 =	vmul.f32 v6, v8  }
0x479: {  	v12 =	vld [tilespmem:s1+$0xFFFFFEF0];
	[tilespmem:s18+$0xFFFFFF60] =	vst v4;
	v4 =	vmul.f32 v3, v9  }
0x47a: {  	v6 =	vld [tilespmem:s1+$0xFFFFFF70];
	[tilespmem:s18+$0xFFFFFFE0] =	vst v0;
	v0 =	vmul.f32 v5, v10  }
0x47b: {  	v3 =	vld [tilespmem:s1+$0xFFFFFFF0];
	[tilespmem:s18+$0x60] =	vst v4;
	v1 =	vmul.f32 v1, v2  }
0x47c: {  	v4 =	vld [tilespmem:s1+$0x70];
	[tilespmem:s18+$0xE0] =	vst v0  }
0x47d: {  	v0 =	vmul.f32 v11, v7;
	v5 =	vld [tilespmem:s1+$0xF0];
	[tilespmem:s18+$0x160] =	vst v1  }
0x47e: {  	v2 =	vld [tilespmem:s1+$0x170]  }
0x47f: {  	[tilespmem:s18+$0xFFFFFE70] =	vst v0;
	v1 =	vld [tilespmem:s18+$0xFFFFFEF0]  }
.Ltmp3:
0x480: {  	v9 =	vld [tilespmem:s18+$0xFFFFFF70];
	(pc) =	sbr.rel @p1 .LBB2_8-.Ltmp3, $4  }
0x481: {  	v8 =	vld [tilespmem:s18+$0xFFFFFFF0]  }
0x482: {  	v7 =	vld [tilespmem:s18+$0x70]  }
0x483: {  	v0 =	vld [tilespmem:s18+$0xF0]  }
0x484: {  	s18 =	sadd.s32 $0x400, s18;
	v10 =	vmul.f32 v12, v1;
	v1 =	vld [tilespmem:s0+$0x170]  }
0x485: {  	v6 =	vmul.f32 v6, v9  }
0x486: {  	[tilespmem:s0+$0xFFFFFEF0] =	vst v10;
	v3 =	vmul.f32 v3, v8  }
0x487: {  	[tilespmem:s0+$0xFFFFFF70] =	vst v6;
	v4 =	vmul.f32 v4, v7  }
0x488: {  	[tilespmem:s0+$0xFFFFFFF0] =	vst v3;
	v0 =	vmul.f32 v5, v0  }
0x489: {  	[tilespmem:s0+$0x70] =	vst v4;
	v1 =	vmul.f32 v2, v1  }
0x48a: {  	[tilespmem:s0+$0xF0] =	vst v0  }
0x48b: {  	[tilespmem:s0+$0x170] =	vst v1  }
0x48c: {  	_ =	strace $0x90000057  }
0x48d: {  	[hbm4b:s15+s4] =	stream.linear.scatter [tilespmem:s22], [sflag:$0x6], $0x4000, $0x38;
	[tilespmem:$0x12140] =	vst v63  }
0x48e: {  	_ =	strace $0x80000058  }
0x48f: {  	s28 =	sadd.s32 $0x1, s28;
	_ =	swait.ge [sflag:s26], $0x4000  }
0x490: {  	p1 =	sne.s32 s28, s16;
	[sflag:s26] =	ssyncset.done $0x0  }
.Ltmp4:
0x491: {  	[sflag:s26] =	ssyncadd.s32 $0xFFFFC000;
	(pc) =	sbr.rel @p1 .LBB2_1-.Ltmp4, $4  }
0x492: {  	_ =	swait.ge [sflag:s31], $0x4000  }
0x493: {  	[sflag:s31] =	ssyncset.done $0x0  }
0x494: {  	[sflag:s31] =	ssyncadd.s32 $0xFFFFC000  }
0x495: {  	_ =	strace $0x90000058  }
0x496: {  	_ =	sfence.sel $0x180000  }
0x497: {  	[bflag:$0x0] =	sbarrier.arrive $0xFFFF  }
0x498: {  	_ =	strace $0x90000047  }
0x499: {  	s0 =	stileid.u32;
	[bflag:$0x2] =	sbarrier.arrive $0xFFFF  }
0x49a: {  	p0 =	sne.s32 s0, $0x0;
	s0 =	rddreg [dreg:$0x5]  }
0x49b: {  	s0 =	sadd.s32 @!p0 $0x100000, s0  }
0x49c: {  	[sflag:s0] =	ssyncadd.tile.s32 @!p0 $0x1;
	_ =	shalt  }
.Lfunc_end2:
_tile_overlayer_lowered:
.L_overlay_start_2:
0x49d: {  	(tag) =	ssettag $0x2  }
0x49e: {  	s0 =	rddreg [dreg:$0x0];
	s2 =	stileid.u32  }
0x49f: {  	s1 =	rddreg [dreg:$0x1];
	p0 =	sne.s32 s2, $0x0  }
0x4a0: {  	s3 =	rddreg [dreg:$0x2];
	[bflag:$0x3] =	sbarrier.arrive $0xFFFF;
	s2 =	simm.s32 @!p0 $0x1C07  }
0x4a1: {  	[timem:s3], [sflag:s2] =	dma.local @!p0 [hbm:s0], s1  }
0x4a2: {  	s0 =	simm.s32 @!p0 $0x7  }
0x4a3: {  	_ =	swait.ge @!p0 [sflag:s0], s1  }
0x4a4: {  	s1 =	ssub.s32 @!p0 $0x0, s1;
	[sflag:s0] =	ssyncset.done @!p0 $0x0  }
0x4a5: {  	[sflag:s0] =	ssyncadd.s32 @!p0 s1  }
0x4a6: {  	[bflag:$0x3] =	sbarrier.arrive $0xFFFF  }
0x4a7: {  	_ =	shalt  }

</sc_bundles>
